<compile_context>
chip_gen: v7x
topology: tpu7x:2x2x1
jax: 0.10.2.dev20260603
libtpu: 0.0.44.dev20260713+nightly
codegen_flags: <defaults>
</compile_context>

<pallas_src>
import functools

import jax
import jax.numpy as jnp
from jax import lax
from jax.experimental import pallas as pl
from jax.experimental.pallas import tpu as pltpu
from jax.experimental.pallas import tpu_sc as plsc

B = 1024
TOT = 32768
IN_LEN = 16
OUT_LEN = 25
ENC = 64
DEC = 128
NEG = -1e30

SR = 8
WIN = 5
SLOTS = SR * WIN
NSUP = B * WIN

_AGENTS_PER_BLK = 64
_RBLK = _AGENTS_PER_BLK * SLOTS


def _sigmoid(x):
    return jax.nn.sigmoid(x)


def _leaky(x):
    return jnp.where(x >= 0, x, 0.1 * x)


def _idx_kernel(len_ref, start_ref, mask_ref):
    lenf = len_ref[...].astype(jnp.float32)
    row = lax.broadcasted_iota(jnp.int32, (B, B), 0)
    col = lax.broadcasted_iota(jnp.int32, (B, B), 1)
    tri = (col <= row).astype(jnp.float32)
    cs = jnp.dot(tri, lenf, preferred_element_type=jnp.float32)
    start = cs - lenf
    fs = jnp.floor(start * (1.0 / SR))
    w = lax.broadcasted_iota(jnp.int32, (B, WIN), 1).astype(jnp.float32)
    start_ref[...] = (fs + w).astype(jnp.int32)
    p = lax.broadcasted_iota(jnp.int32, (B, SLOTS), 1).astype(jnp.float32)
    off = start - SR * fs
    valid = (p >= off) & (p < off + lenf)
    mask_ref[...] = jnp.where(valid, 0.0, NEG).astype(jnp.float32)


def _make_idx(nbr_list_len):
    return pl.pallas_call(
        _idx_kernel,
        out_shape=(
            jax.ShapeDtypeStruct((B, WIN), jnp.int32),
            jax.ShapeDtypeStruct((B, SLOTS), jnp.float32),
        ),
    )(nbr_list_len.reshape(B, 1))


_D = 2 * IN_LEN
_DSUP = _D * SR


def _sc_gather_body(nrows, table_hbm, idx_hbm, out_hbm, idx_v, rows_v, sem):
    info = plsc.get_sparse_core_info()
    nc = info.num_cores
    wid = lax.axis_index("s") * nc + lax.axis_index("c")
    bpw = nrows // (nc * info.num_subcores)
    base = wid * bpw
    pltpu.sync_copy(idx_hbm.at[pl.ds(base, bpw)], idx_v)
    pltpu.async_copy(table_hbm.at[idx_v], rows_v, sem).wait()
    pltpu.sync_copy(rows_v, out_hbm.at[pl.ds(base, bpw)])


def _gather_rows(table, idx):
    nrows = idx.shape[0]
    bpw = nrows // 32
    return pl.kernel(
        functools.partial(_sc_gather_body, nrows),
        out_type=jax.ShapeDtypeStruct((nrows, _DSUP), jnp.float32),
        mesh=plsc.VectorSubcoreMesh(core_axis_name="c", subcore_axis_name="s"),
        compiler_params=pltpu.CompilerParams(use_tc_tiling_on_sc=False),
        scratch_types=[
            pltpu.VMEM((bpw,), jnp.int32),
            pltpu.VMEM((bpw, _DSUP), jnp.float32),
            pltpu.SemaphoreType.DMA,
        ],
    )(table, idx)


def _nbr_kernel(x_ref, mask_ref, ipw_ref, ipb_ref, wcat_ref, bsum_ref,
                relw_ref, relb_ref, mlpw_ref, mlpb_ref, soc_ref):
    x = x_ref[...]
    ipw = ipw_ref[...]
    ipb = ipb_ref[...]
    wcat = wcat_ref[...]
    bsum = bsum_ref[...]
    h = jnp.zeros((_RBLK, ENC), jnp.float32)
    c = jnp.zeros((_RBLK, ENC), jnp.float32)
    for t in range(IN_LEN):
        xt = x[:, 2 * t:2 * t + 2]
        emb = _leaky(jnp.dot(xt, ipw, preferred_element_type=jnp.float32) + ipb)
        g = jnp.dot(jnp.concatenate([emb, h], axis=1),
                    wcat, preferred_element_type=jnp.float32) + bsum
        i_ = _sigmoid(g[:, :ENC])
        f_ = _sigmoid(g[:, ENC:2 * ENC])
        gg = jnp.tanh(g[:, 2 * ENC:3 * ENC])
        o_ = _sigmoid(g[:, 3 * ENC:])
        c = f_ * c + i_ * gg
        h = o_ * jnp.tanh(c)
    rel = jnp.dot(x[:, 2 * (IN_LEN - 1):], relw_ref[...],
                  preferred_element_type=jnp.float32) + relb_ref[...]
    pool = jnp.maximum(
        jnp.dot(jnp.concatenate([rel, h], axis=1),
                mlpw_ref[...], preferred_element_type=jnp.float32)
        + mlpb_ref[...], 0.0)
    pool3 = pool.reshape(_AGENTS_PER_BLK, SLOTS, 4 * ENC)
    pool3 = pool3 + mask_ref[...].reshape(_AGENTS_PER_BLK, SLOTS, 1)
    soc_ref[...] = jnp.maximum(jnp.max(pool3, axis=1), 0.0)


def _nbr_branch(xpad, mask, ipw, ipb, wcat, bsum, relw, relb, mlpw, mlpb):
    nblk = xpad.shape[0] // _RBLK
    wspec = lambda a: pl.BlockSpec(a.shape, lambda i: (0,) * a.ndim)
    return pl.pallas_call(
        _nbr_kernel,
        grid=(nblk,),
        in_specs=[
            pl.BlockSpec((_RBLK, 2 * IN_LEN), lambda i: (i, 0)),
            pl.BlockSpec((_AGENTS_PER_BLK, SLOTS), lambda i: (i, 0)),
            wspec(ipw), wspec(ipb), wspec(wcat), wspec(bsum),
            wspec(relw), wspec(relb), wspec(mlpw), wspec(mlpb),
        ],
        out_specs=pl.BlockSpec((_AGENTS_PER_BLK, 4 * ENC), lambda i: (i, 0)),
        out_shape=jax.ShapeDtypeStruct((nblk * _AGENTS_PER_BLK, 4 * ENC),
                                       jnp.float32),
    )(xpad, mask, ipw, ipb, wcat, bsum, relw, relb, mlpw, mlpb)


def _dec_kernel(hist_ref, soc_ref, late_ref, lone_ref,
                ipw_ref, ipb_ref, wcat_ref, bsum_ref, dynw_ref, dynb_ref,
                latw_ref, latb_ref, lonw_ref, lonb_ref,
                dwa_ref, dwb_ref, dwc_ref, dbsum_ref, dwhh_ref,
                opw_ref, opb_ref,
                fut_ref, lat_ref, lon_ref):
    ipw = ipw_ref[...]
    ipb = ipb_ref[...]
    wcat = wcat_ref[...]
    bsum = bsum_ref[...]

    def enc_step(t, hc):
        h, c = hc
        xt = hist_ref[t]
        emb = _leaky(jnp.dot(xt, ipw, preferred_element_type=jnp.float32) + ipb)
        g = jnp.dot(jnp.concatenate([emb, h], axis=1),
                    wcat, preferred_element_type=jnp.float32) + bsum
        i_ = _sigmoid(g[:, :ENC])
        f_ = _sigmoid(g[:, ENC:2 * ENC])
        gg = jnp.tanh(g[:, 2 * ENC:3 * ENC])
        o_ = _sigmoid(g[:, 3 * ENC:])
        c2 = f_ * c + i_ * gg
        return (o_ * jnp.tanh(c2), c2)

    h0 = jnp.zeros((B, ENC), jnp.float32)
    h_hist, _ = lax.fori_loop(0, IN_LEN, enc_step, (h0, h0))
    hist_enc = _leaky(jnp.dot(h_hist, dynw_ref[...],
                              preferred_element_type=jnp.float32) + dynb_ref[...])
    enc = jnp.concatenate([soc_ref[...], hist_enc], axis=1)

    def softmax(logit):
        e = jnp.exp(logit - jnp.max(logit, axis=1, keepdims=True))
        return e / jnp.sum(e, axis=1, keepdims=True)

    lat_ref[...] = softmax(jnp.dot(enc, latw_ref[...],
                                   preferred_element_type=jnp.float32) + latb_ref[...])
    lon_ref[...] = softmax(jnp.dot(enc, lonw_ref[...],
                                   preferred_element_type=jnp.float32) + lonb_ref[...])

    xg = (jnp.dot(enc, dwa_ref[...], preferred_element_type=jnp.float32)
          + jnp.dot(late_ref[...], dwb_ref[...], preferred_element_type=jnp.float32)
          + jnp.dot(lone_ref[...], dwc_ref[...], preferred_element_type=jnp.float32)
          + dbsum_ref[...])
    dwhh = dwhh_ref[...]
    opw = opw_ref[...]
    opb = opb_ref[...]
    col = lax.broadcasted_iota(jnp.int32, (B, 5), 1)

    def dec_step(t, hc):
        h, c = hc
        g = xg + jnp.dot(h, dwhh, preferred_element_type=jnp.float32)
        i_ = _sigmoid(g[:, :DEC])
        f_ = _sigmoid(g[:, DEC:2 * DEC])
        gg = jnp.tanh(g[:, 2 * DEC:3 * DEC])
        o_ = _sigmoid(g[:, 3 * DEC:])
        c2 = f_ * c + i_ * gg
        h2 = o_ * jnp.tanh(c2)
        raw = jnp.dot(h2, opw, preferred_element_type=jnp.float32) + opb
        out = jnp.where(col < 2, raw, jnp.where(col < 4, jnp.exp(raw), jnp.tanh(raw)))
        fut_ref[t] = out
        return (h2, c2)

    hd0 = jnp.zeros((B, DEC), jnp.float32)
    lax.fori_loop(0, OUT_LEN, dec_step, (hd0, hd0))


def _decode(hist, soc, late, lone, ipw, ipb, wcat, bsum, dynw, dynb,
            latw, latb, lonw, lonb, dwa, dwb, dwc, dbsum, dwhh, opw, opb):
    return pl.pallas_call(
        _dec_kernel,
        out_shape=(
            jax.ShapeDtypeStruct((OUT_LEN, B, 5), jnp.float32),
            jax.ShapeDtypeStruct((B, 3), jnp.float32),
            jax.ShapeDtypeStruct((B, 2), jnp.float32),
        ),
    )(hist, soc, late, lone, ipw, ipb, wcat, bsum, dynw, dynb,
      latw, latb, lonw, lonb, dwa, dwb, dwc, dbsum, dwhh, opw, opb)


def kernel(hist, nbrs, nbr_list_len, lat_enc, lon_enc, en_ex_enc,
           ip_w, ip_b, enc_wih, enc_whh, enc_bih, enc_bhh, dyn_w, dyn_b,
           rel_w, rel_b, mlp_w, mlp_b, lat_w, lat_b, lon_w, lon_b,
           dec_wih, dec_whh, dec_bih, dec_bhh, op_w, op_b):
    del en_ex_enc
    ipw = ip_w.T
    ipb = ip_b.reshape(1, -1)
    wcat = jnp.concatenate([enc_wih.T, enc_whh.T], axis=0)
    bsum = (enc_bih + enc_bhh).reshape(1, -1)
    relw = rel_w.T
    relb = rel_b.reshape(1, -1)
    mlpw = mlp_w.T
    mlpb = mlp_b.reshape(1, -1)
    dynw = dyn_w.T
    dynb = dyn_b.reshape(1, -1)
    latw = lat_w.T
    latb = lat_b.reshape(1, -1)
    lonw = lon_w.T
    lonb = lon_b.reshape(1, -1)
    dwt = dec_wih.T
    dwa, dwb, dwc = dwt[:288], dwt[288:291], dwt[291:293]
    dbsum = (dec_bih + dec_bhh).reshape(1, -1)
    dwhh = dec_whh.T
    opw = op_w.T
    opb = op_b.reshape(1, -1)

    nbr_rows = jnp.transpose(nbrs, (1, 0, 2)).reshape(TOT, 2 * IN_LEN)

    idx, mask = _make_idx(nbr_list_len)
    sup = _gather_rows(nbr_rows.reshape(TOT // SR, _DSUP), idx.reshape(NSUP))
    xpad = sup.reshape(B * SLOTS, _D)
    soc = _nbr_branch(xpad, mask, ipw, ipb, wcat, bsum, relw, relb, mlpw, mlpb)
    fut, lat, lon = _decode(hist, soc, lat_enc, lon_enc, ipw, ipb, wcat, bsum,
                            dynw, dynb, latw, latb, lonw, lonb,
                            dwa, dwb, dwc, dbsum, dwhh, opw, opb)
    return fut, lat, lon

# --- scband reference (transcript-rebuilt; emitter-appended) ---
"""Pipeline reference for scband-round-net-4578435138046 (READ-ONLY COPY).

The authoritative reference and input builder live on the scoring server;
editing this copy changes nothing except your own understanding.
"""

import jax, jax.numpy as jnp
import numpy as np

IN_LEN = 16
OUT_LEN = 25
B = 1024
TOT = 32768
IP = 2
EMB = 32
ENC = 64
DYN = 32
BOT = 256
DEC = 128
NLAT = 3
NLON = 2
NEX = 4
DEC_IN = BOT + DYN + NLAT + NLON


def _lstm(x, wih, whh, bih, bhh):
    H = whh.shape[1]
    def step(carry, xt):
        h, c = carry
        g = xt @ wih.T + h @ whh.T + bih + bhh
        i = jax.nn.sigmoid(g[:, :H])
        f = jax.nn.sigmoid(g[:, H:2 * H])
        gg = jnp.tanh(g[:, 2 * H:3 * H])
        o = jax.nn.sigmoid(g[:, 3 * H:])
        c2 = f * c + i * gg
        h2 = o * jnp.tanh(c2)
        return (h2, c2), h2
    init = (jnp.zeros((x.shape[1], H), x.dtype), jnp.zeros((x.shape[1], H), x.dtype))
    (h, c), hs = jax.lax.scan(step, init, x)
    return hs, h


def _leaky(x):
    return jnp.where(x >= 0, x, 0.1 * x)


def _out_act(raw):
    return jnp.concatenate([raw[..., 0:2], jnp.exp(raw[..., 2:4]), jnp.tanh(raw[..., 4:5])], axis=-1)


def setup_inputs():
    ks = jax.random.split(jax.random.key(0), 32)
    def U(k, shape, fan):
        return jax.random.uniform(k, shape, jnp.float32, -1.0, 1.0) / np.sqrt(fan)
    inp = {}
    inp['hist'] = jax.random.normal(ks[0], (IN_LEN, B, IP), jnp.float32)
    inp['nbrs'] = jax.random.normal(ks[1], (IN_LEN, TOT, IP), jnp.float32)
    inp['nbr_list_len'] = jax.random.randint(ks[2], (B,), 0, 32, jnp.int32)
    inp['lat_enc'] = jax.random.uniform(ks[3], (B, NLAT), jnp.float32)
    inp['lon_enc'] = jax.random.uniform(ks[4], (B, NLON), jnp.float32)
    inp['en_ex_enc'] = jnp.zeros((B, NEX), jnp.float32)
    inp['ip_w'] = U(ks[5], (EMB, IP), IP)
    inp['ip_b'] = U(ks[6], (EMB,), IP)
    inp['enc_wih'] = U(ks[7], (4 * ENC, EMB), ENC)
    inp['enc_whh'] = U(ks[8], (4 * ENC, ENC), ENC)
    inp['enc_bih'] = U(ks[9], (4 * ENC,), ENC)
    inp['enc_bhh'] = U(ks[10], (4 * ENC,), ENC)
    inp['dyn_w'] = U(ks[11], (DYN, ENC), ENC)
    inp['dyn_b'] = U(ks[12], (DYN,), ENC)
    inp['rel_w'] = U(ks[13], (ENC, IP), IP)
    inp['rel_b'] = U(ks[14], (ENC,), IP)
    inp['mlp_w'] = U(ks[15], (BOT, 2 * ENC), 2 * ENC)
    inp['mlp_b'] = U(ks[16], (BOT,), 2 * ENC)
    inp['lat_w'] = U(ks[17], (NLAT, BOT + DYN), BOT + DYN)
    inp['lat_b'] = U(ks[18], (NLAT,), BOT + DYN)
    inp['lon_w'] = U(ks[19], (NLON, BOT + DYN), BOT + DYN)
    inp['lon_b'] = U(ks[20], (NLON,), BOT + DYN)
    inp['dec_wih'] = U(ks[21], (4 * DEC, DEC_IN), DEC)
    inp['dec_whh'] = U(ks[22], (4 * DEC, DEC), DEC)
    inp['dec_bih'] = U(ks[23], (4 * DEC,), DEC)
    inp['dec_bhh'] = U(ks[24], (4 * DEC,), DEC)
    inp['op_w'] = U(ks[25], (5, DEC), DEC)
    inp['op_b'] = U(ks[26], (5,), DEC)
    return inp


def _forward(hist, nbrs, lat_enc, lon_enc, nbr_list_len, ip_w, ip_b, enc_wih, enc_whh, enc_bih, enc_bhh, dyn_w, dyn_b, rel_w, rel_b, mlp_w, mlp_b, lat_w, lat_b, lon_w, lon_b, dec_wih, dec_whh, dec_bih, dec_bhh, op_w, op_b):
    _, h_hist = _lstm(_leaky(hist @ ip_w.T + ip_b), enc_wih, enc_whh, enc_bih, enc_bhh)
    hist_enc = _leaky(h_hist @ dyn_w.T + dyn_b)
    _, nbrs_enc = _lstm(_leaky(nbrs @ ip_w.T + ip_b), enc_wih, enc_whh, enc_bih, enc_bhh)
    rel = nbrs[-1] @ rel_w.T + rel_b
    pool = jax.nn.relu(jnp.concatenate([rel, nbrs_enc], axis=1) @ mlp_w.T + mlp_b)
    cs = jnp.cumsum(nbr_list_len)
    seg = jnp.searchsorted(cs, jnp.arange(TOT), side='right')
    soc = jax.ops.segment_max(pool, seg, num_segments=B + 1)[:B]
    soc = jnp.where((nbr_list_len > 0)[:, None], soc, 0.0)
    enc = jnp.concatenate([soc, hist_enc], axis=1)
    lat_pred = jax.nn.softmax(enc @ lat_w.T + lat_b, axis=1)
    lon_pred = jax.nn.softmax(enc @ lon_w.T + lon_b, axis=1)
    enc2 = jnp.concatenate([enc, lat_enc, lon_enc], axis=1)
    rep = jnp.broadcast_to(enc2[None, :, :], (OUT_LEN, B, DEC_IN))
    hs, _ = _lstm(rep, dec_wih, dec_whh, dec_bih, dec_bhh)
    fut_pred = _out_act(hs @ op_w.T + op_b)
    return fut_pred, lat_pred, lon_pred


def reference(hist, nbrs, nbr_list_len, lat_enc, lon_enc, en_ex_enc, ip_w, ip_b, enc_wih, enc_whh, enc_bih, enc_bhh, dyn_w, dyn_b, rel_w, rel_b, mlp_w, mlp_b, lat_w, lat_b, lon_w, lon_b, dec_wih, dec_whh, dec_bih, dec_bhh, op_w, op_b):
    return _forward(hist, nbrs, lat_enc, lon_enc, nbr_list_len, ip_w, ip_b, enc_wih, enc_whh, enc_bih, enc_bhh, dyn_w, dyn_b, rel_w, rel_b, mlp_w, mlp_b, lat_w, lat_b, lon_w, lon_b, dec_wih, dec_whh, dec_bih, dec_bhh, op_w, op_b)

if __name__ == "__main__":
    import jax
    _d = setup_inputs()
    print(jax.jit(kernel)(*tuple(_d.values())))

</pallas_src>

<mosaic_0001>
#map = affine_map<(d0, d1) -> (0, 0)>
#map1 = affine_map<(d0, d1) -> (0)>
module attributes {stable_mosaic.version = 14 : i64} {
  func.func @_sc_gather_body(%arg0: i32, %arg1: i32, %arg2: memref<4096x256xf32, #tpu.memory_space<hbm>>, %arg3: memref<5120xi32, #tpu.memory_space<hbm>>, %arg4: memref<5120x256xf32, #tpu.memory_space<hbm>>, %arg5: memref<160xi32, #tpu.memory_space<vmem>>, %arg6: memref<160x256xf32, #tpu.memory_space<vmem>>, %arg7: memref<!tpu.dma_semaphore, #tpu.memory_space<semaphore_mem>>) attributes {dimension_semantics = [#tpu.dimension_semantics<core_parallel>, #tpu.dimension_semantics<subcore_parallel>], iteration_bounds = array<i64: 2, 16>, scalar_prefetch = 0 : i64, scratch_operands = 3 : i64, tpu.core_type = #tpu.core_type<sc_vector_subcore>, window_params = [{transform_indices = #map}, {transform_indices = #map1}, {transform_indices = #map}]} {
    %mul3A = arith.constant 2 : i32
    %mul3A_0 = arith.muli %arg1, %mul3A : i32
    %add3A = arith.addi %mul3A_0, %arg0 : i32
    %mul3A_1 = arith.constant 160 : i32
    %mul3A_2 = arith.muli %add3A, %mul3A_1 : i32
    "tpu.region"() ({
      %run_scoped3A = tpu.sem_alloc : memref<!tpu.dma_semaphore, #tpu.memory_space<semaphore_mem>>
      %dma_start3A_7 = tpu.memref_slice %arg3[%mul3A_2] : memref<5120xi32, #tpu.memory_space<hbm>> -> memref<160xi32, #tpu.memory_space<hbm>>
      %dma_start3A_8 = tpu.memref_slice %arg3[%mul3A_2] : memref<5120xi32, #tpu.memory_space<hbm>> -> memref<160xi32, #tpu.memory_space<hbm>>
      tpu.enqueue_dma source(%dma_start3A_8 : memref<160xi32, #tpu.memory_space<hbm>>) target(%arg5 : memref<160xi32, #tpu.memory_space<vmem>>) target_semaphore(%run_scoped3A : memref<!tpu.dma_semaphore, #tpu.memory_space<semaphore_mem>>)
      %dma_wait3A_9 = tpu.memref_slice %arg3[%mul3A_2] : memref<5120xi32, #tpu.memory_space<hbm>> -> memref<160xi32, #tpu.memory_space<hbm>>
      %dma_wait3A_10 = tpu.memref_slice %arg3[%mul3A_2] : memref<5120xi32, #tpu.memory_space<hbm>> -> memref<160xi32, #tpu.memory_space<hbm>>
      tpu.wait_dma2 semaphore(%run_scoped3A : memref<!tpu.dma_semaphore, #tpu.memory_space<semaphore_mem>>) src(%dma_wait3A_10 : memref<160xi32, #tpu.memory_space<hbm>>) dst(%arg5 : memref<160xi32, #tpu.memory_space<vmem>>)
      tpu.yield
    }) : () -> ()
    %dma_start3A = arith.constant 0 : i32
    %dma_start3A_3 = arith.constant 0 : i32
    %dma_start3A_4 = tpu.memref_slice %arg2[%dma_start3A, %dma_start3A_3] : memref<4096x256xf32, #tpu.memory_space<hbm>> -> memref<4096x256xf32, #tpu.memory_space<hbm>>
    tpu.enqueue_indirect_dma source(%dma_start3A_4 : memref<4096x256xf32, #tpu.memory_space<hbm>>) target(%arg6 : memref<160x256xf32, #tpu.memory_space<vmem>>) offsets(%arg5 : memref<160xi32, #tpu.memory_space<vmem>>) semaphore(%arg7 : memref<!tpu.dma_semaphore, #tpu.memory_space<semaphore_mem>>)
    %dma_wait3A = arith.constant 0 : i32
    %dma_wait3A_5 = arith.constant 0 : i32
    %dma_wait3A_6 = tpu.memref_slice %arg2[%dma_wait3A, %dma_wait3A_5] : memref<4096x256xf32, #tpu.memory_space<hbm>> -> memref<4096x256xf32, #tpu.memory_space<hbm>>
    tpu.wait_indirect_dma semaphore(%arg7 : memref<!tpu.dma_semaphore, #tpu.memory_space<semaphore_mem>>) src(%dma_wait3A_6 : memref<4096x256xf32, #tpu.memory_space<hbm>>) dst(%arg6 : memref<160x256xf32, #tpu.memory_space<vmem>>)
    "tpu.region"() ({
      %run_scoped3A = tpu.sem_alloc : memref<!tpu.dma_semaphore, #tpu.memory_space<semaphore_mem>>
      %dma_start3A_7 = arith.constant 0 : i32
      %dma_start3A_8 = tpu.memref_slice %arg4[%mul3A_2, %dma_start3A_7] : memref<5120x256xf32, #tpu.memory_space<hbm>> -> memref<160x256xf32, #tpu.memory_space<hbm>>
      %dma_start3A_9 = arith.constant 0 : i32
      %dma_start3A_10 = tpu.memref_slice %arg4[%mul3A_2, %dma_start3A_9] : memref<5120x256xf32, #tpu.memory_space<hbm>> -> memref<160x256xf32, #tpu.memory_space<hbm>>
      tpu.enqueue_dma source(%arg6 : memref<160x256xf32, #tpu.memory_space<vmem>>) target(%dma_start3A_10 : memref<160x256xf32, #tpu.memory_space<hbm>>) target_semaphore(%run_scoped3A : memref<!tpu.dma_semaphore, #tpu.memory_space<semaphore_mem>>)
      %dma_wait3A_11 = arith.constant 0 : i32
      %dma_wait3A_12 = tpu.memref_slice %arg4[%mul3A_2, %dma_wait3A_11] : memref<5120x256xf32, #tpu.memory_space<hbm>> -> memref<160x256xf32, #tpu.memory_space<hbm>>
      %dma_wait3A_13 = arith.constant 0 : i32
      %dma_wait3A_14 = tpu.memref_slice %arg4[%mul3A_2, %dma_wait3A_13] : memref<5120x256xf32, #tpu.memory_space<hbm>> -> memref<160x256xf32, #tpu.memory_space<hbm>>
      tpu.wait_dma2 semaphore(%run_scoped3A : memref<!tpu.dma_semaphore, #tpu.memory_space<semaphore_mem>>) src(%arg6 : memref<160x256xf32, #tpu.memory_space<vmem>>) dst(%dma_wait3A_14 : memref<160x256xf32, #tpu.memory_space<hbm>>)
      tpu.yield
    }) : () -> ()
    return
  }
}

module attributes {stable_mosaic.version = 14 : i64} {
  func.func @_idx_kernel(%arg0: memref<1024x1xi32, #tpu.memory_space<vmem>>, %arg1: memref<1024x5xi32, #tpu.memory_space<vmem>>, %arg2: memref<1024x40xf32, #tpu.memory_space<vmem>>) attributes {dimension_semantics = [], scalar_prefetch = 0 : i64, scratch_operands = 0 : i64, tpu.core_type = #tpu.core_type<tc>} {
    %get3A = arith.constant 0 : index
    %get3A_0 = arith.constant 0 : index
    %get3A_1 = vector.load %arg0[%get3A, %get3A_0] : memref<1024x1xi32, #tpu.memory_space<vmem>>, vector<1024x1xi32>
    %convert_element_type3A = arith.sitofp %get3A_1 : vector<1024x1xi32> to vector<1024x1xf32>
    %iota3A = tpu.iota {dimensions = array<i32: 0>} : vector<1024x1024xi32>
    %iota3A_2 = tpu.iota {dimensions = array<i32: 1>} : vector<1024x1024xi32>
    %le3A = arith.cmpi sle, %iota3A_2, %iota3A : vector<1024x1024xi32>
    %convert_element_type3A_3 = arith.extui %le3A : vector<1024x1024xi1> to vector<1024x1024xi32>
    %convert_element_type3A_4 = arith.sitofp %convert_element_type3A_3 : vector<1024x1024xi32> to vector<1024x1024xf32>
    %dot_general3A = arith.constant dense<0.000000e+00> : vector<1024x1xf32>
    %dot_general3A_5 = tpu.matmul %convert_element_type3A_4, %convert_element_type3A, %dot_general3A {dimension_numbers = #tpu.dot_dimension_numbers<[1], [0], [0], [1], [0, 0, 1, 1], [], []>, transpose_lhs_hint = false} : vector<1024x1024xf32>, vector<1024x1xf32>, vector<1024x1xf32> -> vector<1024x1xf32>
    %sub3A = arith.subf %dot_general3A_5, %convert_element_type3A : vector<1024x1xf32>
    %mul3A = arith.constant 1.250000e-01 : f32
    %mul3A_6 = vector.broadcast %mul3A : f32 to vector<1024x1xf32>
    %mul3A_7 = arith.mulf %sub3A, %mul3A_6 : vector<1024x1xf32>
    %floor3A = math.floor %mul3A_7 : vector<1024x1xf32>
    %iota3A_8 = tpu.iota {dimensions = array<i32: 1>} : vector<1024x5xi32>
    %convert_element_type3A_9 = arith.sitofp %iota3A_8 : vector<1024x5xi32> to vector<1024x5xf32>
    %add3A = vector.broadcast %floor3A : vector<1024x1xf32> to vector<1024x5xf32>
    %add3A_10 = arith.addf %add3A, %convert_element_type3A_9 : vector<1024x5xf32>
    %convert_element_type3A_11 = arith.fptosi %add3A_10 : vector<1024x5xf32> to vector<1024x5xi32>
    %swap3A = arith.constant 0 : index
    %swap3A_12 = arith.constant 0 : index
    %swap3A_13 = vector.load %arg1[%swap3A, %swap3A_12] : memref<1024x5xi32, #tpu.memory_space<vmem>>, vector<1024x5xi32>
    tpu.vector_store %arg1[%swap3A, %swap3A_12], %convert_element_type3A_11 {strides = array<i32>} : memref<1024x5xi32, #tpu.memory_space<vmem>>, vector<1024x5xi32>,
    %iota3A_14 = tpu.iota {dimensions = array<i32: 1>} : vector<1024x40xi32>
    %convert_element_type3A_15 = arith.sitofp %iota3A_14 : vector<1024x40xi32> to vector<1024x40xf32>
    %mul3A_16 = arith.constant 8.000000e+00 : f32
    %mul3A_17 = vector.broadcast %mul3A_16 : f32 to vector<1024x1xf32>
    %mul3A_18 = arith.mulf %mul3A_17, %floor3A : vector<1024x1xf32>
    %sub3A_19 = arith.subf %sub3A, %mul3A_18 : vector<1024x1xf32>
    %ge3A = vector.broadcast %sub3A_19 : vector<1024x1xf32> to vector<1024x40xf32>
    %ge3A_20 = arith.cmpf oge, %convert_element_type3A_15, %ge3A : vector<1024x40xf32>
    %add3A_21 = arith.addf %sub3A_19, %convert_element_type3A : vector<1024x1xf32>
    %lt3A = vector.broadcast %add3A_21 : vector<1024x1xf32> to vector<1024x40xf32>
    %lt3A_22 = arith.cmpf olt, %convert_element_type3A_15, %lt3A : vector<1024x40xf32>
    %and3A = arith.andi %ge3A_20, %lt3A_22 : vector<1024x40xi1>
    %jit3A = arith.constant 0.000000e+00 : f32
    %jit3A_23 = arith.constant -1.000000e+30 : f32
    %broadcast_in_dim3A = vector.broadcast %jit3A : f32 to vector<1024x40xf32>
    %broadcast_in_dim3A_24 = vector.broadcast %jit3A_23 : f32 to vector<1024x40xf32>
    %select_n3A = arith.select %and3A, %broadcast_in_dim3A, %broadcast_in_dim3A_24 : vector<1024x40xi1>, vector<1024x40xf32>
    %swap3A_25 = arith.constant 0 : index
    %swap3A_26 = arith.constant 0 : index
    %swap3A_27 = vector.load %arg2[%swap3A_25, %swap3A_26] : memref<1024x40xf32, #tpu.memory_space<vmem>>, vector<1024x40xf32>
    tpu.vector_store %arg2[%swap3A_25, %swap3A_26], %select_n3A {strides = array<i32>} : memref<1024x40xf32, #tpu.memory_space<vmem>>, vector<1024x40xf32>,
    return
  }
}

module attributes {stable_mosaic.version = 14 : i64} {
  func.func @_nbr_kernel(%arg0: i32, %arg1: memref<2560x32xf32, #tpu.memory_space<vmem>>, %arg2: memref<64x40xf32, #tpu.memory_space<vmem>>, %arg3: memref<2x32xf32, #tpu.memory_space<vmem>>, %arg4: memref<1x32xf32, #tpu.memory_space<vmem>>, %arg5: memref<96x256xf32, #tpu.memory_space<vmem>>, %arg6: memref<1x256xf32, #tpu.memory_space<vmem>>, %arg7: memref<2x64xf32, #tpu.memory_space<vmem>>, %arg8: memref<1x64xf32, #tpu.memory_space<vmem>>, %arg9: memref<128x256xf32, #tpu.memory_space<vmem>>, %arg10: memref<1x256xf32, #tpu.memory_space<vmem>>, %arg11: memref<64x256xf32, #tpu.memory_space<vmem>>) attributes {dimension_semantics = [#tpu.dimension_semantics<arbitrary>], iteration_bounds = array<i64: 16>, scalar_prefetch = 0 : i64, scratch_operands = 0 : i64, tpu.core_type = #tpu.core_type<tc>, window_params = [{transform_indices = @transform_0, window_bounds = array<i64: 2560, 32>}, {transform_indices = @transform_1, window_bounds = array<i64: 64, 40>}, {pipeline_mode = #tpu.pipeline_mode<synchronous>, transform_indices = @transform_2, window_bounds = array<i64: 2, 32>}, {pipeline_mode = #tpu.pipeline_mode<synchronous>, transform_indices = @transform_3, window_bounds = array<i64: 1, 32>}, {pipeline_mode = #tpu.pipeline_mode<synchronous>, transform_indices = @transform_4, window_bounds = array<i64: 96, 256>}, {pipeline_mode = #tpu.pipeline_mode<synchronous>, transform_indices = @transform_5, window_bounds = array<i64: 1, 256>}, {pipeline_mode = #tpu.pipeline_mode<synchronous>, transform_indices = @transform_6, window_bounds = array<i64: 2, 64>}, {pipeline_mode = #tpu.pipeline_mode<synchronous>, transform_indices = @transform_7, window_bounds = array<i64: 1, 64>}, {pipeline_mode = #tpu.pipeline_mode<synchronous>, transform_indices = @transform_8, window_bounds = array<i64: 128, 256>}, {pipeline_mode = #tpu.pipeline_mode<synchronous>, transform_indices = @transform_9, window_bounds = array<i64: 1, 256>}, {transform_indices = @transform_10, window_bounds = array<i64: 64, 256>}]} {
    %get3A = arith.constant 0 : index
    %get3A_0 = arith.constant 0 : index
    %get3A_1 = vector.load %arg1[%get3A, %get3A_0] : memref<2560x32xf32, #tpu.memory_space<vmem>>, vector<2560x32xf32>
    %get3A_2 = arith.constant 0 : index
    %get3A_3 = arith.constant 0 : index
    %get3A_4 = vector.load %arg3[%get3A_2, %get3A_3] : memref<2x32xf32, #tpu.memory_space<vmem>>, vector<2x32xf32>
    %get3A_5 = arith.constant 0 : index
    %get3A_6 = arith.constant 0 : index
    %get3A_7 = vector.load %arg4[%get3A_5, %get3A_6] : memref<1x32xf32, #tpu.memory_space<vmem>>, vector<1x32xf32>
    %get3A_8 = arith.constant 0 : index
    %get3A_9 = arith.constant 0 : index
    %get3A_10 = vector.load %arg5[%get3A_8, %get3A_9] : memref<96x256xf32, #tpu.memory_space<vmem>>, vector<96x256xf32>
    %get3A_11 = arith.constant 0 : index
    %get3A_12 = arith.constant 0 : index
    %get3A_13 = vector.load %arg6[%get3A_11, %get3A_12] : memref<1x256xf32, #tpu.memory_space<vmem>>, vector<1x256xf32>
    %broadcast_in_dim3A = arith.constant 0.000000e+00 : f32
    %broadcast_in_dim3A_14 = vector.broadcast %broadcast_in_dim3A : f32 to vector<2560x64xf32>
    %broadcast_in_dim3A_15 = arith.constant 0.000000e+00 : f32
    %broadcast_in_dim3A_16 = vector.broadcast %broadcast_in_dim3A_15 : f32 to vector<2560x64xf32>
    %slice3A = vector.extract_strided_slice %get3A_1 {offsets = [0, 0], sizes = [2560, 2], strides = [1, 1]} : vector<2560x32xf32> to vector<2560x2xf32>
    %dot_general3A = arith.constant dense<0.000000e+00> : vector<2560x32xf32>
    %dot_general3A_17 = tpu.matmul %slice3A, %get3A_4, %dot_general3A {dimension_numbers = #tpu.dot_dimension_numbers<[1], [0], [0], [1], [0, 0, 1, 1], [], []>, transpose_lhs_hint = false} : vector<2560x2xf32>, vector<2x32xf32>, vector<2560x32xf32> -> vector<2560x32xf32>
    %add3A = vector.broadcast %get3A_7 : vector<1x32xf32> to vector<2560x32xf32>
    %add3A_18 = arith.addf %dot_general3A_17, %add3A : vector<2560x32xf32>
    %ge3A = arith.constant 0.000000e+00 : f32
    %ge3A_19 = vector.broadcast %ge3A : f32 to vector<2560x32xf32>
    %ge3A_20 = arith.cmpf oge, %add3A_18, %ge3A_19 : vector<2560x32xf32>
    %mul3A = arith.constant 1.000000e-01 : f32
    %mul3A_21 = vector.broadcast %mul3A : f32 to vector<2560x32xf32>
    %mul3A_22 = arith.mulf %mul3A_21, %add3A_18 : vector<2560x32xf32>
    %select_n3A = arith.select %ge3A_20, %add3A_18, %mul3A_22 : vector<2560x32xi1>, vector<2560x32xf32>
    %concatenate3A = tpu.concatenate %select_n3A, %broadcast_in_dim3A_14 in 1 : vector<2560x32xf32>, vector<2560x64xf32> -> vector<2560x96xf32>
    %dot_general3A_23 = arith.constant dense<0.000000e+00> : vector<2560x256xf32>
    %dot_general3A_24 = tpu.matmul %concatenate3A, %get3A_10, %dot_general3A_23 {dimension_numbers = #tpu.dot_dimension_numbers<[1], [0], [0], [1], [0, 0, 1, 1], [], []>, transpose_lhs_hint = false} : vector<2560x96xf32>, vector<96x256xf32>, vector<2560x256xf32> -> vector<2560x256xf32>
    %add3A_25 = vector.broadcast %get3A_13 : vector<1x256xf32> to vector<2560x256xf32>
    %add3A_26 = arith.addf %dot_general3A_24, %add3A_25 : vector<2560x256xf32>
    %slice3A_27 = vector.extract_strided_slice %add3A_26 {offsets = [0, 0], sizes = [2560, 64], strides = [1, 1]} : vector<2560x256xf32> to vector<2560x64xf32>
    %logistic3A = arith.negf %slice3A_27 : vector<2560x64xf32>
    %logistic3A_28 = math.exp %logistic3A : vector<2560x64xf32>
    %logistic3A_29 = arith.constant 1.000000e+00 : f32
    %logistic3A_30 = vector.broadcast %logistic3A_29 : f32 to vector<2560x64xf32>
    %logistic3A_31 = arith.addf %logistic3A_30, %logistic3A_28 : vector<2560x64xf32>
    %logistic3A_32 = arith.divf %logistic3A_30, %logistic3A_31 : vector<2560x64xf32>
    %slice3A_33 = vector.extract_strided_slice %add3A_26 {offsets = [0, 64], sizes = [2560, 64], strides = [1, 1]} : vector<2560x256xf32> to vector<2560x64xf32>
    %logistic3A_34 = arith.negf %slice3A_33 : vector<2560x64xf32>
    %logistic3A_35 = math.exp %logistic3A_34 : vector<2560x64xf32>
    %logistic3A_36 = arith.constant 1.000000e+00 : f32
    %logistic3A_37 = vector.broadcast %logistic3A_36 : f32 to vector<2560x64xf32>
    %logistic3A_38 = arith.addf %logistic3A_37, %logistic3A_35 : vector<2560x64xf32>
    %logistic3A_39 = arith.divf %logistic3A_37, %logistic3A_38 : vector<2560x64xf32>
    %slice3A_40 = vector.extract_strided_slice %add3A_26 {offsets = [0, 128], sizes = [2560, 64], strides = [1, 1]} : vector<2560x256xf32> to vector<2560x64xf32>
    %tanh3A = math.tanh %slice3A_40 : vector<2560x64xf32>
    %slice3A_41 = vector.extract_strided_slice %add3A_26 {offsets = [0, 192], sizes = [2560, 64], strides = [1, 1]} : vector<2560x256xf32> to vector<2560x64xf32>
    %logistic3A_42 = arith.negf %slice3A_41 : vector<2560x64xf32>
    %logistic3A_43 = math.exp %logistic3A_42 : vector<2560x64xf32>
    %logistic3A_44 = arith.constant 1.000000e+00 : f32
    %logistic3A_45 = vector.broadcast %logistic3A_44 : f32 to vector<2560x64xf32>
    %logistic3A_46 = arith.addf %logistic3A_45, %logistic3A_43 : vector<2560x64xf32>
    %logistic3A_47 = arith.divf %logistic3A_45, %logistic3A_46 : vector<2560x64xf32>
    %mul3A_48 = arith.mulf %logistic3A_39, %broadcast_in_dim3A_16 : vector<2560x64xf32>
    %mul3A_49 = arith.mulf %logistic3A_32, %tanh3A : vector<2560x64xf32>
    %add3A_50 = arith.addf %mul3A_48, %mul3A_49 : vector<2560x64xf32>
    %tanh3A_51 = math.tanh %add3A_50 : vector<2560x64xf32>
    %mul3A_52 = arith.mulf %logistic3A_47, %tanh3A_51 : vector<2560x64xf32>
    %slice3A_53 = vector.extract_strided_slice %get3A_1 {offsets = [0, 2], sizes = [2560, 2], strides = [1, 1]} : vector<2560x32xf32> to vector<2560x2xf32>
    %dot_general3A_54 = arith.constant dense<0.000000e+00> : vector<2560x32xf32>
    %dot_general3A_55 = tpu.matmul %slice3A_53, %get3A_4, %dot_general3A_54 {dimension_numbers = #tpu.dot_dimension_numbers<[1], [0], [0], [1], [0, 0, 1, 1], [], []>, transpose_lhs_hint = false} : vector<2560x2xf32>, vector<2x32xf32>, vector<2560x32xf32> -> vector<2560x32xf32>
    %add3A_56 = vector.broadcast %get3A_7 : vector<1x32xf32> to vector<2560x32xf32>
    %add3A_57 = arith.addf %dot_general3A_55, %add3A_56 : vector<2560x32xf32>
    %ge3A_58 = arith.constant 0.000000e+00 : f32
    %ge3A_59 = vector.broadcast %ge3A_58 : f32 to vector<2560x32xf32>
    %ge3A_60 = arith.cmpf oge, %add3A_57, %ge3A_59 : vector<2560x32xf32>
    %mul3A_61 = arith.constant 1.000000e-01 : f32
    %mul3A_62 = vector.broadcast %mul3A_61 : f32 to vector<2560x32xf32>
    %mul3A_63 = arith.mulf %mul3A_62, %add3A_57 : vector<2560x32xf32>
    %select_n3A_64 = arith.select %ge3A_60, %add3A_57, %mul3A_63 : vector<2560x32xi1>, vector<2560x32xf32>
    %concatenate3A_65 = tpu.concatenate %select_n3A_64, %mul3A_52 in 1 : vector<2560x32xf32>, vector<2560x64xf32> -> vector<2560x96xf32>
    %dot_general3A_66 = arith.constant dense<0.000000e+00> : vector<2560x256xf32>
    %dot_general3A_67 = tpu.matmul %concatenate3A_65, %get3A_10, %dot_general3A_66 {dimension_numbers = #tpu.dot_dimension_numbers<[1], [0], [0], [1], [0, 0, 1, 1], [], []>, transpose_lhs_hint = false} : vector<2560x96xf32>, vector<96x256xf32>, vector<2560x256xf32> -> vector<2560x256xf32>
    %add3A_68 = vector.broadcast %get3A_13 : vector<1x256xf32> to vector<2560x256xf32>
    %add3A_69 = arith.addf %dot_general3A_67, %add3A_68 : vector<2560x256xf32>
    %slice3A_70 = vector.extract_strided_slice %add3A_69 {offsets = [0, 0], sizes = [2560, 64], strides = [1, 1]} : vector<2560x256xf32> to vector<2560x64xf32>
    %logistic3A_71 = arith.negf %slice3A_70 : vector<2560x64xf32>
    %logistic3A_72 = math.exp %logistic3A_71 : vector<2560x64xf32>
    %logistic3A_73 = arith.constant 1.000000e+00 : f32
    %logistic3A_74 = vector.broadcast %logistic3A_73 : f32 to vector<2560x64xf32>
    %logistic3A_75 = arith.addf %logistic3A_74, %logistic3A_72 : vector<2560x64xf32>
    %logistic3A_76 = arith.divf %logistic3A_74, %logistic3A_75 : vector<2560x64xf32>
    %slice3A_77 = vector.extract_strided_slice %add3A_69 {offsets = [0, 64], sizes = [2560, 64], strides = [1, 1]} : vector<2560x256xf32> to vector<2560x64xf32>
    %logistic3A_78 = arith.negf %slice3A_77 : vector<2560x64xf32>
    %logistic3A_79 = math.exp %logistic3A_78 : vector<2560x64xf32>
    %logistic3A_80 = arith.constant 1.000000e+00 : f32
    %logistic3A_81 = vector.broadcast %logistic3A_80 : f32 to vector<2560x64xf32>
    %logistic3A_82 = arith.addf %logistic3A_81, %logistic3A_79 : vector<2560x64xf32>
    %logistic3A_83 = arith.divf %logistic3A_81, %logistic3A_82 : vector<2560x64xf32>
    %slice3A_84 = vector.extract_strided_slice %add3A_69 {offsets = [0, 128], sizes = [2560, 64], strides = [1, 1]} : vector<2560x256xf32> to vector<2560x64xf32>
    %tanh3A_85 = math.tanh %slice3A_84 : vector<2560x64xf32>
    %slice3A_86 = vector.extract_strided_slice %add3A_69 {offsets = [0, 192], sizes = [2560, 64], strides = [1, 1]} : vector<2560x256xf32> to vector<2560x64xf32>
    %logistic3A_87 = arith.negf %slice3A_86 : vector<2560x64xf32>
    %logistic3A_88 = math.exp %logistic3A_87 : vector<2560x64xf32>
    %logistic3A_89 = arith.constant 1.000000e+00 : f32
    %logistic3A_90 = vector.broadcast %logistic3A_89 : f32 to vector<2560x64xf32>
    %logistic3A_91 = arith.addf %logistic3A_90, %logistic3A_88 : vector<2560x64xf32>
    %logistic3A_92 = arith.divf %logistic3A_90, %logistic3A_91 : vector<2560x64xf32>
    %mul3A_93 = arith.mulf %logistic3A_83, %add3A_50 : vector<2560x64xf32>
    %mul3A_94 = arith.mulf %logistic3A_76, %tanh3A_85 : vector<2560x64xf32>
    %add3A_95 = arith.addf %mul3A_93, %mul3A_94 : vector<2560x64xf32>
    %tanh3A_96 = math.tanh %add3A_95 : vector<2560x64xf32>
    %mul3A_97 = arith.mulf %logistic3A_92, %tanh3A_96 : vector<2560x64xf32>
    %slice3A_98 = vector.extract_strided_slice %get3A_1 {offsets = [0, 4], sizes = [2560, 2], strides = [1, 1]} : vector<2560x32xf32> to vector<2560x2xf32>
    %dot_general3A_99 = arith.constant dense<0.000000e+00> : vector<2560x32xf32>
    %dot_general3A_100 = tpu.matmul %slice3A_98, %get3A_4, %dot_general3A_99 {dimension_numbers = #tpu.dot_dimension_numbers<[1], [0], [0], [1], [0, 0, 1, 1], [], []>, transpose_lhs_hint = false} : vector<2560x2xf32>, vector<2x32xf32>, vector<2560x32xf32> -> vector<2560x32xf32>
    %add3A_101 = vector.broadcast %get3A_7 : vector<1x32xf32> to vector<2560x32xf32>
    %add3A_102 = arith.addf %dot_general3A_100, %add3A_101 : vector<2560x32xf32>
    %ge3A_103 = arith.constant 0.000000e+00 : f32
    %ge3A_104 = vector.broadcast %ge3A_103 : f32 to vector<2560x32xf32>
    %ge3A_105 = arith.cmpf oge, %add3A_102, %ge3A_104 : vector<2560x32xf32>
    %mul3A_106 = arith.constant 1.000000e-01 : f32
    %mul3A_107 = vector.broadcast %mul3A_106 : f32 to vector<2560x32xf32>
    %mul3A_108 = arith.mulf %mul3A_107, %add3A_102 : vector<2560x32xf32>
    %select_n3A_109 = arith.select %ge3A_105, %add3A_102, %mul3A_108 : vector<2560x32xi1>, vector<2560x32xf32>
    %concatenate3A_110 = tpu.concatenate %select_n3A_109, %mul3A_97 in 1 : vector<2560x32xf32>, vector<2560x64xf32> -> vector<2560x96xf32>
    %dot_general3A_111 = arith.constant dense<0.000000e+00> : vector<2560x256xf32>
    %dot_general3A_112 = tpu.matmul %concatenate3A_110, %get3A_10, %dot_general3A_111 {dimension_numbers = #tpu.dot_dimension_numbers<[1], [0], [0], [1], [0, 0, 1, 1], [], []>, transpose_lhs_hint = false} : vector<2560x96xf32>, vector<96x256xf32>, vector<2560x256xf32> -> vector<2560x256xf32>
    %add3A_113 = vector.broadcast %get3A_13 : vector<1x256xf32> to vector<2560x256xf32>
    %add3A_114 = arith.addf %dot_general3A_112, %add3A_113 : vector<2560x256xf32>
    %slice3A_115 = vector.extract_strided_slice %add3A_114 {offsets = [0, 0], sizes = [2560, 64], strides = [1, 1]} : vector<2560x256xf32> to vector<2560x64xf32>
    %logistic3A_116 = arith.negf %slice3A_115 : vector<2560x64xf32>
    %logistic3A_117 = math.exp %logistic3A_116 : vector<2560x64xf32>
    %logistic3A_118 = arith.constant 1.000000e+00 : f32
    %logistic3A_119 = vector.broadcast %logistic3A_118 : f32 to vector<2560x64xf32>
    %logistic3A_120 = arith.addf %logistic3A_119, %logistic3A_117 : vector<2560x64xf32>
    %logistic3A_121 = arith.divf %logistic3A_119, %logistic3A_120 : vector<2560x64xf32>
    %slice3A_122 = vector.extract_strided_slice %add3A_114 {offsets = [0, 64], sizes = [2560, 64], strides = [1, 1]} : vector<2560x256xf32> to vector<2560x64xf32>
    %logistic3A_123 = arith.negf %slice3A_122 : vector<2560x64xf32>
    %logistic3A_124 = math.exp %logistic3A_123 : vector<2560x64xf32>
    %logistic3A_125 = arith.constant 1.000000e+00 : f32
    %logistic3A_126 = vector.broadcast %logistic3A_125 : f32 to vector<2560x64xf32>
    %logistic3A_127 = arith.addf %logistic3A_126, %logistic3A_124 : vector<2560x64xf32>
    %logistic3A_128 = arith.divf %logistic3A_126, %logistic3A_127 : vector<2560x64xf32>
    %slice3A_129 = vector.extract_strided_slice %add3A_114 {offsets = [0, 128], sizes = [2560, 64], strides = [1, 1]} : vector<2560x256xf32> to vector<2560x64xf32>
    %tanh3A_130 = math.tanh %slice3A_129 : vector<2560x64xf32>
    %slice3A_131 = vector.extract_strided_slice %add3A_114 {offsets = [0, 192], sizes = [2560, 64], strides = [1, 1]} : vector<2560x256xf32> to vector<2560x64xf32>
    %logistic3A_132 = arith.negf %slice3A_131 : vector<2560x64xf32>
    %logistic3A_133 = math.exp %logistic3A_132 : vector<2560x64xf32>
    %logistic3A_134 = arith.constant 1.000000e+00 : f32
    %logistic3A_135 = vector.broadcast %logistic3A_134 : f32 to vector<2560x64xf32>
    %logistic3A_136 = arith.addf %logistic3A_135, %logistic3A_133 : vector<2560x64xf32>
    %logistic3A_137 = arith.divf %logistic3A_135, %logistic3A_136 : vector<2560x64xf32>
    %mul3A_138 = arith.mulf %logistic3A_128, %add3A_95 : vector<2560x64xf32>
    %mul3A_139 = arith.mulf %logistic3A_121, %tanh3A_130 : vector<2560x64xf32>
    %add3A_140 = arith.addf %mul3A_138, %mul3A_139 : vector<2560x64xf32>
    %tanh3A_141 = math.tanh %add3A_140 : vector<2560x64xf32>
    %mul3A_142 = arith.mulf %logistic3A_137, %tanh3A_141 : vector<2560x64xf32>
    %slice3A_143 = vector.extract_strided_slice %get3A_1 {offsets = [0, 6], sizes = [2560, 2], strides = [1, 1]} : vector<2560x32xf32> to vector<2560x2xf32>
    %dot_general3A_144 = arith.constant dense<0.000000e+00> : vector<2560x32xf32>
    %dot_general3A_145 = tpu.matmul %slice3A_143, %get3A_4, %dot_general3A_144 {dimension_numbers = #tpu.dot_dimension_numbers<[1], [0], [0], [1], [0, 0, 1, 1], [], []>, transpose_lhs_hint = false} : vector<2560x2xf32>, vector<2x32xf32>, vector<2560x32xf32> -> vector<2560x32xf32>
    %add3A_146 = vector.broadcast %get3A_7 : vector<1x32xf32> to vector<2560x32xf32>
    %add3A_147 = arith.addf %dot_general3A_145, %add3A_146 : vector<2560x32xf32>
    %ge3A_148 = arith.constant 0.000000e+00 : f32
    %ge3A_149 = vector.broadcast %ge3A_148 : f32 to vector<2560x32xf32>
    %ge3A_150 = arith.cmpf oge, %add3A_147, %ge3A_149 : vector<2560x32xf32>
    %mul3A_151 = arith.constant 1.000000e-01 : f32
    %mul3A_152 = vector.broadcast %mul3A_151 : f32 to vector<2560x32xf32>
    %mul3A_153 = arith.mulf %mul3A_152, %add3A_147 : vector<2560x32xf32>
    %select_n3A_154 = arith.select %ge3A_150, %add3A_147, %mul3A_153 : vector<2560x32xi1>, vector<2560x32xf32>
    %concatenate3A_155 = tpu.concatenate %select_n3A_154, %mul3A_142 in 1 : vector<2560x32xf32>, vector<2560x64xf32> -> vector<2560x96xf32>
    %dot_general3A_156 = arith.constant dense<0.000000e+00> : vector<2560x256xf32>
    %dot_general3A_157 = tpu.matmul %concatenate3A_155, %get3A_10, %dot_general3A_156 {dimension_numbers = #tpu.dot_dimension_numbers<[1], [0], [0], [1], [0, 0, 1, 1], [], []>, transpose_lhs_hint = false} : vector<2560x96xf32>, vector<96x256xf32>, vector<2560x256xf32> -> vector<2560x256xf32>
    %add3A_158 = vector.broadcast %get3A_13 : vector<1x256xf32> to vector<2560x256xf32>
    %add3A_159 = arith.addf %dot_general3A_157, %add3A_158 : vector<2560x256xf32>
    %slice3A_160 = vector.extract_strided_slice %add3A_159 {offsets = [0, 0], sizes = [2560, 64], strides = [1, 1]} : vector<2560x256xf32> to vector<2560x64xf32>
    %logistic3A_161 = arith.negf %slice3A_160 : vector<2560x64xf32>
    %logistic3A_162 = math.exp %logistic3A_161 : vector<2560x64xf32>
    %logistic3A_163 = arith.constant 1.000000e+00 : f32
    %logistic3A_164 = vector.broadcast %logistic3A_163 : f32 to vector<2560x64xf32>
    %logistic3A_165 = arith.addf %logistic3A_164, %logistic3A_162 : vector<2560x64xf32>
    %logistic3A_166 = arith.divf %logistic3A_164, %logistic3A_165 : vector<2560x64xf32>
    %slice3A_167 = vector.extract_strided_slice %add3A_159 {offsets = [0, 64], sizes = [2560, 64], strides = [1, 1]} : vector<2560x256xf32> to vector<2560x64xf32>
    %logistic3A_168 = arith.negf %slice3A_167 : vector<2560x64xf32>
    %logistic3A_169 = math.exp %logistic3A_168 : vector<2560x64xf32>
    %logistic3A_170 = arith.constant 1.000000e+00 : f32
    %logistic3A_171 = vector.broadcast %logistic3A_170 : f32 to vector<2560x64xf32>
    %logistic3A_172 = arith.addf %logistic3A_171, %logistic3A_169 : vector<2560x64xf32>
    %logistic3A_173 = arith.divf %logistic3A_171, %logistic3A_172 : vector<2560x64xf32>
    %slice3A_174 = vector.extract_strided_slice %add3A_159 {offsets = [0, 128], sizes = [2560, 64], strides = [1, 1]} : vector<2560x256xf32> to vector<2560x64xf32>
    %tanh3A_175 = math.tanh %slice3A_174 : vector<2560x64xf32>
    %slice3A_176 = vector.extract_strided_slice %add3A_159 {offsets = [0, 192], sizes = [2560, 64], strides = [1, 1]} : vector<2560x256xf32> to vector<2560x64xf32>
    %logistic3A_177 = arith.negf %slice3A_176 : vector<2560x64xf32>
    %logistic3A_178 = math.exp %logistic3A_177 : vector<2560x64xf32>
    %logistic3A_179 = arith.constant 1.000000e+00 : f32
    %logistic3A_180 = vector.broadcast %logistic3A_179 : f32 to vector<2560x64xf32>
    %logistic3A_181 = arith.addf %logistic3A_180, %logistic3A_178 : vector<2560x64xf32>
    %logistic3A_182 = arith.divf %logistic3A_180, %logistic3A_181 : vector<2560x64xf32>
    %mul3A_183 = arith.mulf %logistic3A_173, %add3A_140 : vector<2560x64xf32>
    %mul3A_184 = arith.mulf %logistic3A_166, %tanh3A_175 : vector<2560x64xf32>
    %add3A_185 = arith.addf %mul3A_183, %mul3A_184 : vector<2560x64xf32>
    %tanh3A_186 = math.tanh %add3A_185 : vector<2560x64xf32>
    %mul3A_187 = arith.mulf %logistic3A_182, %tanh3A_186 : vector<2560x64xf32>
    %slice3A_188 = vector.extract_strided_slice %get3A_1 {offsets = [0, 8], sizes = [2560, 2], strides = [1, 1]} : vector<2560x32xf32> to vector<2560x2xf32>
    %dot_general3A_189 = arith.constant dense<0.000000e+00> : vector<2560x32xf32>
    %dot_general3A_190 = tpu.matmul %slice3A_188, %get3A_4, %dot_general3A_189 {dimension_numbers = #tpu.dot_dimension_numbers<[1], [0], [0], [1], [0, 0, 1, 1], [], []>, transpose_lhs_hint = false} : vector<2560x2xf32>, vector<2x32xf32>, vector<2560x32xf32> -> vector<2560x32xf32>
    %add3A_191 = vector.broadcast %get3A_7 : vector<1x32xf32> to vector<2560x32xf32>
    %add3A_192 = arith.addf %dot_general3A_190, %add3A_191 : vector<2560x32xf32>
    %ge3A_193 = arith.constant 0.000000e+00 : f32
    %ge3A_194 = vector.broadcast %ge3A_193 : f32 to vector<2560x32xf32>
    %ge3A_195 = arith.cmpf oge, %add3A_192, %ge3A_194 : vector<2560x32xf32>
    %mul3A_196 = arith.constant 1.000000e-01 : f32
    %mul3A_197 = vector.broadcast %mul3A_196 : f32 to vector<2560x32xf32>
    %mul3A_198 = arith.mulf %mul3A_197, %add3A_192 : vector<2560x32xf32>
    %select_n3A_199 = arith.select %ge3A_195, %add3A_192, %mul3A_198 : vector<2560x32xi1>, vector<2560x32xf32>
    %concatenate3A_200 = tpu.concatenate %select_n3A_199, %mul3A_187 in 1 : vector<2560x32xf32>, vector<2560x64xf32> -> vector<2560x96xf32>
    %dot_general3A_201 = arith.constant dense<0.000000e+00> : vector<2560x256xf32>
    %dot_general3A_202 = tpu.matmul %concatenate3A_200, %get3A_10, %dot_general3A_201 {dimension_numbers = #tpu.dot_dimension_numbers<[1], [0], [0], [1], [0, 0, 1, 1], [], []>, transpose_lhs_hint = false} : vector<2560x96xf32>, vector<96x256xf32>, vector<2560x256xf32> -> vector<2560x256xf32>
    %add3A_203 = vector.broadcast %get3A_13 : vector<1x256xf32> to vector<2560x256xf32>
    %add3A_204 = arith.addf %dot_general3A_202, %add3A_203 : vector<2560x256xf32>
    %slice3A_205 = vector.extract_strided_slice %add3A_204 {offsets = [0, 0], sizes = [2560, 64], strides = [1, 1]} : vector<2560x256xf32> to vector<2560x64xf32>
    %logistic3A_206 = arith.negf %slice3A_205 : vector<2560x64xf32>
    %logistic3A_207 = math.exp %logistic3A_206 : vector<2560x64xf32>
    %logistic3A_208 = arith.constant 1.000000e+00 : f32
    %logistic3A_209 = vector.broadcast %logistic3A_208 : f32 to vector<2560x64xf32>
    %logistic3A_210 = arith.addf %logistic3A_209, %logistic3A_207 : vector<2560x64xf32>
    %logistic3A_211 = arith.divf %logistic3A_209, %logistic3A_210 : vector<2560x64xf32>
    %slice3A_212 = vector.extract_strided_slice %add3A_204 {offsets = [0, 64], sizes = [2560, 64], strides = [1, 1]} : vector<2560x256xf32> to vector<2560x64xf32>
    %logistic3A_213 = arith.negf %slice3A_212 : vector<2560x64xf32>
    %logistic3A_214 = math.exp %logistic3A_213 : vector<2560x64xf32>
    %logistic3A_215 = arith.constant 1.000000e+00 : f32
    %logistic3A_216 = vector.broadcast %logistic3A_215 : f32 to vector<2560x64xf32>
    %logistic3A_217 = arith.addf %logistic3A_216, %logistic3A_214 : vector<2560x64xf32>
    %logistic3A_218 = arith.divf %logistic3A_216, %logistic3A_217 : vector<2560x64xf32>
    %slice3A_219 = vector.extract_strided_slice %add3A_204 {offsets = [0, 128], sizes = [2560, 64], strides = [1, 1]} : vector<2560x256xf32> to vector<2560x64xf32>
    %tanh3A_220 = math.tanh %slice3A_219 : vector<2560x64xf32>
    %slice3A_221 = vector.extract_strided_slice %add3A_204 {offsets = [0, 192], sizes = [2560, 64], strides = [1, 1]} : vector<2560x256xf32> to vector<2560x64xf32>
    %logistic3A_222 = arith.negf %slice3A_221 : vector<2560x64xf32>
    %logistic3A_223 = math.exp %logistic3A_222 : vector<2560x64xf32>
    %logistic3A_224 = arith.constant 1.000000e+00 : f32
    %logistic3A_225 = vector.broadcast %logistic3A_224 : f32 to vector<2560x64xf32>
    %logistic3A_226 = arith.addf %logistic3A_225, %logistic3A_223 : vector<2560x64xf32>
    %logistic3A_227 = arith.divf %logistic3A_225, %logistic3A_226 : vector<2560x64xf32>
    %mul3A_228 = arith.mulf %logistic3A_218, %add3A_185 : vector<2560x64xf32>
    %mul3A_229 = arith.mulf %logistic3A_211, %tanh3A_220 : vector<2560x64xf32>
    %add3A_230 = arith.addf %mul3A_228, %mul3A_229 : vector<2560x64xf32>
    %tanh3A_231 = math.tanh %add3A_230 : vector<2560x64xf32>
    %mul3A_232 = arith.mulf %logistic3A_227, %tanh3A_231 : vector<2560x64xf32>
    %slice3A_233 = vector.extract_strided_slice %get3A_1 {offsets = [0, 10], sizes = [2560, 2], strides = [1, 1]} : vector<2560x32xf32> to vector<2560x2xf32>
    %dot_general3A_234 = arith.constant dense<0.000000e+00> : vector<2560x32xf32>
    %dot_general3A_235 = tpu.matmul %slice3A_233, %get3A_4, %dot_general3A_234 {dimension_numbers = #tpu.dot_dimension_numbers<[1], [0], [0], [1], [0, 0, 1, 1], [], []>, transpose_lhs_hint = false} : vector<2560x2xf32>, vector<2x32xf32>, vector<2560x32xf32> -> vector<2560x32xf32>
    %add3A_236 = vector.broadcast %get3A_7 : vector<1x32xf32> to vector<2560x32xf32>
    %add3A_237 = arith.addf %dot_general3A_235, %add3A_236 : vector<2560x32xf32>
    %ge3A_238 = arith.constant 0.000000e+00 : f32
    %ge3A_239 = vector.broadcast %ge3A_238 : f32 to vector<2560x32xf32>
    %ge3A_240 = arith.cmpf oge, %add3A_237, %ge3A_239 : vector<2560x32xf32>
    %mul3A_241 = arith.constant 1.000000e-01 : f32
    %mul3A_242 = vector.broadcast %mul3A_241 : f32 to vector<2560x32xf32>
    %mul3A_243 = arith.mulf %mul3A_242, %add3A_237 : vector<2560x32xf32>
    %select_n3A_244 = arith.select %ge3A_240, %add3A_237, %mul3A_243 : vector<2560x32xi1>, vector<2560x32xf32>
    %concatenate3A_245 = tpu.concatenate %select_n3A_244, %mul3A_232 in 1 : vector<2560x32xf32>, vector<2560x64xf32> -> vector<2560x96xf32>
    %dot_general3A_246 = arith.constant dense<0.000000e+00> : vector<2560x256xf32>
    %dot_general3A_247 = tpu.matmul %concatenate3A_245, %get3A_10, %dot_general3A_246 {dimension_numbers = #tpu.dot_dimension_numbers<[1], [0], [0], [1], [0, 0, 1, 1], [], []>, transpose_lhs_hint = false} : vector<2560x96xf32>, vector<96x256xf32>, vector<2560x256xf32> -> vector<2560x256xf32>
    %add3A_248 = vector.broadcast %get3A_13 : vector<1x256xf32> to vector<2560x256xf32>
    %add3A_249 = arith.addf %dot_general3A_247, %add3A_248 : vector<2560x256xf32>
    %slice3A_250 = vector.extract_strided_slice %add3A_249 {offsets = [0, 0], sizes = [2560, 64], strides = [1, 1]} : vector<2560x256xf32> to vector<2560x64xf32>
    %logistic3A_251 = arith.negf %slice3A_250 : vector<2560x64xf32>
    %logistic3A_252 = math.exp %logistic3A_251 : vector<2560x64xf32>
    %logistic3A_253 = arith.constant 1.000000e+00 : f32
    %logistic3A_254 = vector.broadcast %logistic3A_253 : f32 to vector<2560x64xf32>
    %logistic3A_255 = arith.addf %logistic3A_254, %logistic3A_252 : vector<2560x64xf32>
    %logistic3A_256 = arith.divf %logistic3A_254, %logistic3A_255 : vector<2560x64xf32>
    %slice3A_257 = vector.extract_strided_slice %add3A_249 {offsets = [0, 64], sizes = [2560, 64], strides = [1, 1]} : vector<2560x256xf32> to vector<2560x64xf32>
    %logistic3A_258 = arith.negf %slice3A_257 : vector<2560x64xf32>
    %logistic3A_259 = math.exp %logistic3A_258 : vector<2560x64xf32>
    %logistic3A_260 = arith.constant 1.000000e+00 : f32
    %logistic3A_261 = vector.broadcast %logistic3A_260 : f32 to vector<2560x64xf32>
    %logistic3A_262 = arith.addf %logistic3A_261, %logistic3A_259 : vector<2560x64xf32>
    %logistic3A_263 = arith.divf %logistic3A_261, %logistic3A_262 : vector<2560x64xf32>
    %slice3A_264 = vector.extract_strided_slice %add3A_249 {offsets = [0, 128], sizes = [2560, 64], strides = [1, 1]} : vector<2560x256xf32> to vector<2560x64xf32>
    %tanh3A_265 = math.tanh %slice3A_264 : vector<2560x64xf32>
    %slice3A_266 = vector.extract_strided_slice %add3A_249 {offsets = [0, 192], sizes = [2560, 64], strides = [1, 1]} : vector<2560x256xf32> to vector<2560x64xf32>
    %logistic3A_267 = arith.negf %slice3A_266 : vector<2560x64xf32>
    %logistic3A_268 = math.exp %logistic3A_267 : vector<2560x64xf32>
    %logistic3A_269 = arith.constant 1.000000e+00 : f32
    %logistic3A_270 = vector.broadcast %logistic3A_269 : f32 to vector<2560x64xf32>
    %logistic3A_271 = arith.addf %logistic3A_270, %logistic3A_268 : vector<2560x64xf32>
    %logistic3A_272 = arith.divf %logistic3A_270, %logistic3A_271 : vector<2560x64xf32>
    %mul3A_273 = arith.mulf %logistic3A_263, %add3A_230 : vector<2560x64xf32>
    %mul3A_274 = arith.mulf %logistic3A_256, %tanh3A_265 : vector<2560x64xf32>
    %add3A_275 = arith.addf %mul3A_273, %mul3A_274 : vector<2560x64xf32>
    %tanh3A_276 = math.tanh %add3A_275 : vector<2560x64xf32>
    %mul3A_277 = arith.mulf %logistic3A_272, %tanh3A_276 : vector<2560x64xf32>
    %slice3A_278 = vector.extract_strided_slice %get3A_1 {offsets = [0, 12], sizes = [2560, 2], strides = [1, 1]} : vector<2560x32xf32> to vector<2560x2xf32>
    %dot_general3A_279 = arith.constant dense<0.000000e+00> : vector<2560x32xf32>
    %dot_general3A_280 = tpu.matmul %slice3A_278, %get3A_4, %dot_general3A_279 {dimension_numbers = #tpu.dot_dimension_numbers<[1], [0], [0], [1], [0, 0, 1, 1], [], []>, transpose_lhs_hint = false} : vector<2560x2xf32>, vector<2x32xf32>, vector<2560x32xf32> -> vector<2560x32xf32>
    %add3A_281 = vector.broadcast %get3A_7 : vector<1x32xf32> to vector<2560x32xf32>
    %add3A_282 = arith.addf %dot_general3A_280, %add3A_281 : vector<2560x32xf32>
    %ge3A_283 = arith.constant 0.000000e+00 : f32
    %ge3A_284 = vector.broadcast %ge3A_283 : f32 to vector<2560x32xf32>
    %ge3A_285 = arith.cmpf oge, %add3A_282, %ge3A_284 : vector<2560x32xf32>
    %mul3A_286 = arith.constant 1.000000e-01 : f32
    %mul3A_287 = vector.broadcast %mul3A_286 : f32 to vector<2560x32xf32>
    %mul3A_288 = arith.mulf %mul3A_287, %add3A_282 : vector<2560x32xf32>
    %select_n3A_289 = arith.select %ge3A_285, %add3A_282, %mul3A_288 : vector<2560x32xi1>, vector<2560x32xf32>
    %concatenate3A_290 = tpu.concatenate %select_n3A_289, %mul3A_277 in 1 : vector<2560x32xf32>, vector<2560x64xf32> -> vector<2560x96xf32>
    %dot_general3A_291 = arith.constant dense<0.000000e+00> : vector<2560x256xf32>
    %dot_general3A_292 = tpu.matmul %concatenate3A_290, %get3A_10, %dot_general3A_291 {dimension_numbers = #tpu.dot_dimension_numbers<[1], [0], [0], [1], [0, 0, 1, 1], [], []>, transpose_lhs_hint = false} : vector<2560x96xf32>, vector<96x256xf32>, vector<2560x256xf32> -> vector<2560x256xf32>
    %add3A_293 = vector.broadcast %get3A_13 : vector<1x256xf32> to vector<2560x256xf32>
    %add3A_294 = arith.addf %dot_general3A_292, %add3A_293 : vector<2560x256xf32>
    %slice3A_295 = vector.extract_strided_slice %add3A_294 {offsets = [0, 0], sizes = [2560, 64], strides = [1, 1]} : vector<2560x256xf32> to vector<2560x64xf32>
    %logistic3A_296 = arith.negf %slice3A_295 : vector<2560x64xf32>
    %logistic3A_297 = math.exp %logistic3A_296 : vector<2560x64xf32>
    %logistic3A_298 = arith.constant 1.000000e+00 : f32
    %logistic3A_299 = vector.broadcast %logistic3A_298 : f32 to vector<2560x64xf32>
    %logistic3A_300 = arith.addf %logistic3A_299, %logistic3A_297 : vector<2560x64xf32>
    %logistic3A_301 = arith.divf %logistic3A_299, %logistic3A_300 : vector<2560x64xf32>
    %slice3A_302 = vector.extract_strided_slice %add3A_294 {offsets = [0, 64], sizes = [2560, 64], strides = [1, 1]} : vector<2560x256xf32> to vector<2560x64xf32>
    %logistic3A_303 = arith.negf %slice3A_302 : vector<2560x64xf32>
    %logistic3A_304 = math.exp %logistic3A_303 : vector<2560x64xf32>
    %logistic3A_305 = arith.constant 1.000000e+00 : f32
    %logistic3A_306 = vector.broadcast %logistic3A_305 : f32 to vector<2560x64xf32>
    %logistic3A_307 = arith.addf %logistic3A_306, %logistic3A_304 : vector<2560x64xf32>
    %logistic3A_308 = arith.divf %logistic3A_306, %logistic3A_307 : vector<2560x64xf32>
    %slice3A_309 = vector.extract_strided_slice %add3A_294 {offsets = [0, 128], sizes = [2560, 64], strides = [1, 1]} : vector<2560x256xf32> to vector<2560x64xf32>
    %tanh3A_310 = math.tanh %slice3A_309 : vector<2560x64xf32>
    %slice3A_311 = vector.extract_strided_slice %add3A_294 {offsets = [0, 192], sizes = [2560, 64], strides = [1, 1]} : vector<2560x256xf32> to vector<2560x64xf32>
    %logistic3A_312 = arith.negf %slice3A_311 : vector<2560x64xf32>
    %logistic3A_313 = math.exp %logistic3A_312 : vector<2560x64xf32>
    %logistic3A_314 = arith.constant 1.000000e+00 : f32
    %logistic3A_315 = vector.broadcast %logistic3A_314 : f32 to vector<2560x64xf32>
    %logistic3A_316 = arith.addf %logistic3A_315, %logistic3A_313 : vector<2560x64xf32>
    %logistic3A_317 = arith.divf %logistic3A_315, %logistic3A_316 : vector<2560x64xf32>
    %mul3A_318 = arith.mulf %logistic3A_308, %add3A_275 : vector<2560x64xf32>
    %mul3A_319 = arith.mulf %logistic3A_301, %tanh3A_310 : vector<2560x64xf32>
    %add3A_320 = arith.addf %mul3A_318, %mul3A_319 : vector<2560x64xf32>
    %tanh3A_321 = math.tanh %add3A_320 : vector<2560x64xf32>
    %mul3A_322 = arith.mulf %logistic3A_317, %tanh3A_321 : vector<2560x64xf32>
    %slice3A_323 = vector.extract_strided_slice %get3A_1 {offsets = [0, 14], sizes = [2560, 2], strides = [1, 1]} : vector<2560x32xf32> to vector<2560x2xf32>
    %dot_general3A_324 = arith.constant dense<0.000000e+00> : vector<2560x32xf32>
    %dot_general3A_325 = tpu.matmul %slice3A_323, %get3A_4, %dot_general3A_324 {dimension_numbers = #tpu.dot_dimension_numbers<[1], [0], [0], [1], [0, 0, 1, 1], [], []>, transpose_lhs_hint = false} : vector<2560x2xf32>, vector<2x32xf32>, vector<2560x32xf32> -> vector<2560x32xf32>
    %add3A_326 = vector.broadcast %get3A_7 : vector<1x32xf32> to vector<2560x32xf32>
    %add3A_327 = arith.addf %dot_general3A_325, %add3A_326 : vector<2560x32xf32>
    %ge3A_328 = arith.constant 0.000000e+00 : f32
    %ge3A_329 = vector.broadcast %ge3A_328 : f32 to vector<2560x32xf32>
    %ge3A_330 = arith.cmpf oge, %add3A_327, %ge3A_329 : vector<2560x32xf32>
    %mul3A_331 = arith.constant 1.000000e-01 : f32
    %mul3A_332 = vector.broadcast %mul3A_331 : f32 to vector<2560x32xf32>
    %mul3A_333 = arith.mulf %mul3A_332, %add3A_327 : vector<2560x32xf32>
    %select_n3A_334 = arith.select %ge3A_330, %add3A_327, %mul3A_333 : vector<2560x32xi1>, vector<2560x32xf32>
    %concatenate3A_335 = tpu.concatenate %select_n3A_334, %mul3A_322 in 1 : vector<2560x32xf32>, vector<2560x64xf32> -> vector<2560x96xf32>
    %dot_general3A_336 = arith.constant dense<0.000000e+00> : vector<2560x256xf32>
    %dot_general3A_337 = tpu.matmul %concatenate3A_335, %get3A_10, %dot_general3A_336 {dimension_numbers = #tpu.dot_dimension_numbers<[1], [0], [0], [1], [0, 0, 1, 1], [], []>, transpose_lhs_hint = false} : vector<2560x96xf32>, vector<96x256xf32>, vector<2560x256xf32> -> vector<2560x256xf32>
    %add3A_338 = vector.broadcast %get3A_13 : vector<1x256xf32> to vector<2560x256xf32>
    %add3A_339 = arith.addf %dot_general3A_337, %add3A_338 : vector<2560x256xf32>
    %slice3A_340 = vector.extract_strided_slice %add3A_339 {offsets = [0, 0], sizes = [2560, 64], strides = [1, 1]} : vector<2560x256xf32> to vector<2560x64xf32>
    %logistic3A_341 = arith.negf %slice3A_340 : vector<2560x64xf32>
    %logistic3A_342 = math.exp %logistic3A_341 : vector<2560x64xf32>
    %logistic3A_343 = arith.constant 1.000000e+00 : f32
    %logistic3A_344 = vector.broadcast %logistic3A_343 : f32 to vector<2560x64xf32>
    %logistic3A_345 = arith.addf %logistic3A_344, %logistic3A_342 : vector<2560x64xf32>
    %logistic3A_346 = arith.divf %logistic3A_344, %logistic3A_345 : vector<2560x64xf32>
    %slice3A_347 = vector.extract_strided_slice %add3A_339 {offsets = [0, 64], sizes = [2560, 64], strides = [1, 1]} : vector<2560x256xf32> to vector<2560x64xf32>
    %logistic3A_348 = arith.negf %slice3A_347 : vector<2560x64xf32>
    %logistic3A_349 = math.exp %logistic3A_348 : vector<2560x64xf32>
    %logistic3A_350 = arith.constant 1.000000e+00 : f32
    %logistic3A_351 = vector.broadcast %logistic3A_350 : f32 to vector<2560x64xf32>
    %logistic3A_352 = arith.addf %logistic3A_351, %logistic3A_349 : vector<2560x64xf32>
    %logistic3A_353 = arith.divf %logistic3A_351, %logistic3A_352 : vector<2560x64xf32>
    %slice3A_354 = vector.extract_strided_slice %add3A_339 {offsets = [0, 128], sizes = [2560, 64], strides = [1, 1]} : vector<2560x256xf32> to vector<2560x64xf32>
    %tanh3A_355 = math.tanh %slice3A_354 : vector<2560x64xf32>
    %slice3A_356 = vector.extract_strided_slice %add3A_339 {offsets = [0, 192], sizes = [2560, 64], strides = [1, 1]} : vector<2560x256xf32> to vector<2560x64xf32>
    %logistic3A_357 = arith.negf %slice3A_356 : vector<2560x64xf32>
    %logistic3A_358 = math.exp %logistic3A_357 : vector<2560x64xf32>
    %logistic3A_359 = arith.constant 1.000000e+00 : f32
    %logistic3A_360 = vector.broadcast %logistic3A_359 : f32 to vector<2560x64xf32>
    %logistic3A_361 = arith.addf %logistic3A_360, %logistic3A_358 : vector<2560x64xf32>
    %logistic3A_362 = arith.divf %logistic3A_360, %logistic3A_361 : vector<2560x64xf32>
    %mul3A_363 = arith.mulf %logistic3A_353, %add3A_320 : vector<2560x64xf32>
    %mul3A_364 = arith.mulf %logistic3A_346, %tanh3A_355 : vector<2560x64xf32>
    %add3A_365 = arith.addf %mul3A_363, %mul3A_364 : vector<2560x64xf32>
    %tanh3A_366 = math.tanh %add3A_365 : vector<2560x64xf32>
    %mul3A_367 = arith.mulf %logistic3A_362, %tanh3A_366 : vector<2560x64xf32>
    %slice3A_368 = vector.extract_strided_slice %get3A_1 {offsets = [0, 16], sizes = [2560, 2], strides = [1, 1]} : vector<2560x32xf32> to vector<2560x2xf32>
    %dot_general3A_369 = arith.constant dense<0.000000e+00> : vector<2560x32xf32>
    %dot_general3A_370 = tpu.matmul %slice3A_368, %get3A_4, %dot_general3A_369 {dimension_numbers = #tpu.dot_dimension_numbers<[1], [0], [0], [1], [0, 0, 1, 1], [], []>, transpose_lhs_hint = false} : vector<2560x2xf32>, vector<2x32xf32>, vector<2560x32xf32> -> vector<2560x32xf32>
    %add3A_371 = vector.broadcast %get3A_7 : vector<1x32xf32> to vector<2560x32xf32>
    %add3A_372 = arith.addf %dot_general3A_370, %add3A_371 : vector<2560x32xf32>
    %ge3A_373 = arith.constant 0.000000e+00 : f32
    %ge3A_374 = vector.broadcast %ge3A_373 : f32 to vector<2560x32xf32>
    %ge3A_375 = arith.cmpf oge, %add3A_372, %ge3A_374 : vector<2560x32xf32>
    %mul3A_376 = arith.constant 1.000000e-01 : f32
    %mul3A_377 = vector.broadcast %mul3A_376 : f32 to vector<2560x32xf32>
    %mul3A_378 = arith.mulf %mul3A_377, %add3A_372 : vector<2560x32xf32>
    %select_n3A_379 = arith.select %ge3A_375, %add3A_372, %mul3A_378 : vector<2560x32xi1>, vector<2560x32xf32>
    %concatenate3A_380 = tpu.concatenate %select_n3A_379, %mul3A_367 in 1 : vector<2560x32xf32>, vector<2560x64xf32> -> vector<2560x96xf32>
    %dot_general3A_381 = arith.constant dense<0.000000e+00> : vector<2560x256xf32>
    %dot_general3A_382 = tpu.matmul %concatenate3A_380, %get3A_10, %dot_general3A_381 {dimension_numbers = #tpu.dot_dimension_numbers<[1], [0], [0], [1], [0, 0, 1, 1], [], []>, transpose_lhs_hint = false} : vector<2560x96xf32>, vector<96x256xf32>, vector<2560x256xf32> -> vector<2560x256xf32>
    %add3A_383 = vector.broadcast %get3A_13 : vector<1x256xf32> to vector<2560x256xf32>
    %add3A_384 = arith.addf %dot_general3A_382, %add3A_383 : vector<2560x256xf32>
    %slice3A_385 = vector.extract_strided_slice %add3A_384 {offsets = [0, 0], sizes = [2560, 64], strides = [1, 1]} : vector<2560x256xf32> to vector<2560x64xf32>
    %logistic3A_386 = arith.negf %slice3A_385 : vector<2560x64xf32>
    %logistic3A_387 = math.exp %logistic3A_386 : vector<2560x64xf32>
    %logistic3A_388 = arith.constant 1.000000e+00 : f32
    %logistic3A_389 = vector.broadcast %logistic3A_388 : f32 to vector<2560x64xf32>
    %logistic3A_390 = arith.addf %logistic3A_389, %logistic3A_387 : vector<2560x64xf32>
    %logistic3A_391 = arith.divf %logistic3A_389, %logistic3A_390 : vector<2560x64xf32>
    %slice3A_392 = vector.extract_strided_slice %add3A_384 {offsets = [0, 64], sizes = [2560, 64], strides = [1, 1]} : vector<2560x256xf32> to vector<2560x64xf32>
    %logistic3A_393 = arith.negf %slice3A_392 : vector<2560x64xf32>
    %logistic3A_394 = math.exp %logistic3A_393 : vector<2560x64xf32>
    %logistic3A_395 = arith.constant 1.000000e+00 : f32
    %logistic3A_396 = vector.broadcast %logistic3A_395 : f32 to vector<2560x64xf32>
    %logistic3A_397 = arith.addf %logistic3A_396, %logistic3A_394 : vector<2560x64xf32>
    %logistic3A_398 = arith.divf %logistic3A_396, %logistic3A_397 : vector<2560x64xf32>
    %slice3A_399 = vector.extract_strided_slice %add3A_384 {offsets = [0, 128], sizes = [2560, 64], strides = [1, 1]} : vector<2560x256xf32> to vector<2560x64xf32>
    %tanh3A_400 = math.tanh %slice3A_399 : vector<2560x64xf32>
    %slice3A_401 = vector.extract_strided_slice %add3A_384 {offsets = [0, 192], sizes = [2560, 64], strides = [1, 1]} : vector<2560x256xf32> to vector<2560x64xf32>
    %logistic3A_402 = arith.negf %slice3A_401 : vector<2560x64xf32>
    %logistic3A_403 = math.exp %logistic3A_402 : vector<2560x64xf32>
    %logistic3A_404 = arith.constant 1.000000e+00 : f32
    %logistic3A_405 = vector.broadcast %logistic3A_404 : f32 to vector<2560x64xf32>
    %logistic3A_406 = arith.addf %logistic3A_405, %logistic3A_403 : vector<2560x64xf32>
    %logistic3A_407 = arith.divf %logistic3A_405, %logistic3A_406 : vector<2560x64xf32>
    %mul3A_408 = arith.mulf %logistic3A_398, %add3A_365 : vector<2560x64xf32>
    %mul3A_409 = arith.mulf %logistic3A_391, %tanh3A_400 : vector<2560x64xf32>
    %add3A_410 = arith.addf %mul3A_408, %mul3A_409 : vector<2560x64xf32>
    %tanh3A_411 = math.tanh %add3A_410 : vector<2560x64xf32>
    %mul3A_412 = arith.mulf %logistic3A_407, %tanh3A_411 : vector<2560x64xf32>
    %slice3A_413 = vector.extract_strided_slice %get3A_1 {offsets = [0, 18], sizes = [2560, 2], strides = [1, 1]} : vector<2560x32xf32> to vector<2560x2xf32>
    %dot_general3A_414 = arith.constant dense<0.000000e+00> : vector<2560x32xf32>
    %dot_general3A_415 = tpu.matmul %slice3A_413, %get3A_4, %dot_general3A_414 {dimension_numbers = #tpu.dot_dimension_numbers<[1], [0], [0], [1], [0, 0, 1, 1], [], []>, transpose_lhs_hint = false} : vector<2560x2xf32>, vector<2x32xf32>, vector<2560x32xf32> -> vector<2560x32xf32>
    %add3A_416 = vector.broadcast %get3A_7 : vector<1x32xf32> to vector<2560x32xf32>
    %add3A_417 = arith.addf %dot_general3A_415, %add3A_416 : vector<2560x32xf32>
    %ge3A_418 = arith.constant 0.000000e+00 : f32
    %ge3A_419 = vector.broadcast %ge3A_418 : f32 to vector<2560x32xf32>
    %ge3A_420 = arith.cmpf oge, %add3A_417, %ge3A_419 : vector<2560x32xf32>
    %mul3A_421 = arith.constant 1.000000e-01 : f32
    %mul3A_422 = vector.broadcast %mul3A_421 : f32 to vector<2560x32xf32>
    %mul3A_423 = arith.mulf %mul3A_422, %add3A_417 : vector<2560x32xf32>
    %select_n3A_424 = arith.select %ge3A_420, %add3A_417, %mul3A_423 : vector<2560x32xi1>, vector<2560x32xf32>
    %concatenate3A_425 = tpu.concatenate %select_n3A_424, %mul3A_412 in 1 : vector<2560x32xf32>, vector<2560x64xf32> -> vector<2560x96xf32>
    %dot_general3A_426 = arith.constant dense<0.000000e+00> : vector<2560x256xf32>
    %dot_general3A_427 = tpu.matmul %concatenate3A_425, %get3A_10, %dot_general3A_426 {dimension_numbers = #tpu.dot_dimension_numbers<[1], [0], [0], [1], [0, 0, 1, 1], [], []>, transpose_lhs_hint = false} : vector<2560x96xf32>, vector<96x256xf32>, vector<2560x256xf32> -> vector<2560x256xf32>
    %add3A_428 = vector.broadcast %get3A_13 : vector<1x256xf32> to vector<2560x256xf32>
    %add3A_429 = arith.addf %dot_general3A_427, %add3A_428 : vector<2560x256xf32>
    %slice3A_430 = vector.extract_strided_slice %add3A_429 {offsets = [0, 0], sizes = [2560, 64], strides = [1, 1]} : vector<2560x256xf32> to vector<2560x64xf32>
    %logistic3A_431 = arith.negf %slice3A_430 : vector<2560x64xf32>
    %logistic3A_432 = math.exp %logistic3A_431 : vector<2560x64xf32>
    %logistic3A_433 = arith.constant 1.000000e+00 : f32
    %logistic3A_434 = vector.broadcast %logistic3A_433 : f32 to vector<2560x64xf32>
    %logistic3A_435 = arith.addf %logistic3A_434, %logistic3A_432 : vector<2560x64xf32>
    %logistic3A_436 = arith.divf %logistic3A_434, %logistic3A_435 : vector<2560x64xf32>
    %slice3A_437 = vector.extract_strided_slice %add3A_429 {offsets = [0, 64], sizes = [2560, 64], strides = [1, 1]} : vector<2560x256xf32> to vector<2560x64xf32>
    %logistic3A_438 = arith.negf %slice3A_437 : vector<2560x64xf32>
    %logistic3A_439 = math.exp %logistic3A_438 : vector<2560x64xf32>
    %logistic3A_440 = arith.constant 1.000000e+00 : f32
    %logistic3A_441 = vector.broadcast %logistic3A_440 : f32 to vector<2560x64xf32>
    %logistic3A_442 = arith.addf %logistic3A_441, %logistic3A_439 : vector<2560x64xf32>
    %logistic3A_443 = arith.divf %logistic3A_441, %logistic3A_442 : vector<2560x64xf32>
    %slice3A_444 = vector.extract_strided_slice %add3A_429 {offsets = [0, 128], sizes = [2560, 64], strides = [1, 1]} : vector<2560x256xf32> to vector<2560x64xf32>
    %tanh3A_445 = math.tanh %slice3A_444 : vector<2560x64xf32>
    %slice3A_446 = vector.extract_strided_slice %add3A_429 {offsets = [0, 192], sizes = [2560, 64], strides = [1, 1]} : vector<2560x256xf32> to vector<2560x64xf32>
    %logistic3A_447 = arith.negf %slice3A_446 : vector<2560x64xf32>
    %logistic3A_448 = math.exp %logistic3A_447 : vector<2560x64xf32>
    %logistic3A_449 = arith.constant 1.000000e+00 : f32
    %logistic3A_450 = vector.broadcast %logistic3A_449 : f32 to vector<2560x64xf32>
    %logistic3A_451 = arith.addf %logistic3A_450, %logistic3A_448 : vector<2560x64xf32>
    %logistic3A_452 = arith.divf %logistic3A_450, %logistic3A_451 : vector<2560x64xf32>
    %mul3A_453 = arith.mulf %logistic3A_443, %add3A_410 : vector<2560x64xf32>
    %mul3A_454 = arith.mulf %logistic3A_436, %tanh3A_445 : vector<2560x64xf32>
    %add3A_455 = arith.addf %mul3A_453, %mul3A_454 : vector<2560x64xf32>
    %tanh3A_456 = math.tanh %add3A_455 : vector<2560x64xf32>
    %mul3A_457 = arith.mulf %logistic3A_452, %tanh3A_456 : vector<2560x64xf32>
    %slice3A_458 = vector.extract_strided_slice %get3A_1 {offsets = [0, 20], sizes = [2560, 2], strides = [1, 1]} : vector<2560x32xf32> to vector<2560x2xf32>
    %dot_general3A_459 = arith.constant dense<0.000000e+00> : vector<2560x32xf32>
    %dot_general3A_460 = tpu.matmul %slice3A_458, %get3A_4, %dot_general3A_459 {dimension_numbers = #tpu.dot_dimension_numbers<[1], [0], [0], [1], [0, 0, 1, 1], [], []>, transpose_lhs_hint = false} : vector<2560x2xf32>, vector<2x32xf32>, vector<2560x32xf32> -> vector<2560x32xf32>
    %add3A_461 = vector.broadcast %get3A_7 : vector<1x32xf32> to vector<2560x32xf32>
    %add3A_462 = arith.addf %dot_general3A_460, %add3A_461 : vector<2560x32xf32>
    %ge3A_463 = arith.constant 0.000000e+00 : f32
    %ge3A_464 = vector.broadcast %ge3A_463 : f32 to vector<2560x32xf32>
    %ge3A_465 = arith.cmpf oge, %add3A_462, %ge3A_464 : vector<2560x32xf32>
    %mul3A_466 = arith.constant 1.000000e-01 : f32
    %mul3A_467 = vector.broadcast %mul3A_466 : f32 to vector<2560x32xf32>
    %mul3A_468 = arith.mulf %mul3A_467, %add3A_462 : vector<2560x32xf32>
    %select_n3A_469 = arith.select %ge3A_465, %add3A_462, %mul3A_468 : vector<2560x32xi1>, vector<2560x32xf32>
    %concatenate3A_470 = tpu.concatenate %select_n3A_469, %mul3A_457 in 1 : vector<2560x32xf32>, vector<2560x64xf32> -> vector<2560x96xf32>
    %dot_general3A_471 = arith.constant dense<0.000000e+00> : vector<2560x256xf32>
    %dot_general3A_472 = tpu.matmul %concatenate3A_470, %get3A_10, %dot_general3A_471 {dimension_numbers = #tpu.dot_dimension_numbers<[1], [0], [0], [1], [0, 0, 1, 1], [], []>, transpose_lhs_hint = false} : vector<2560x96xf32>, vector<96x256xf32>, vector<2560x256xf32> -> vector<2560x256xf32>
    %add3A_473 = vector.broadcast %get3A_13 : vector<1x256xf32> to vector<2560x256xf32>
    %add3A_474 = arith.addf %dot_general3A_472, %add3A_473 : vector<2560x256xf32>
    %slice3A_475 = vector.extract_strided_slice %add3A_474 {offsets = [0, 0], sizes = [2560, 64], strides = [1, 1]} : vector<2560x256xf32> to vector<2560x64xf32>
    %logistic3A_476 = arith.negf %slice3A_475 : vector<2560x64xf32>
    %logistic3A_477 = math.exp %logistic3A_476 : vector<2560x64xf32>
    %logistic3A_478 = arith.constant 1.000000e+00 : f32
    %logistic3A_479 = vector.broadcast %logistic3A_478 : f32 to vector<2560x64xf32>
    %logistic3A_480 = arith.addf %logistic3A_479, %logistic3A_477 : vector<2560x64xf32>
    %logistic3A_481 = arith.divf %logistic3A_479, %logistic3A_480 : vector<2560x64xf32>
    %slice3A_482 = vector.extract_strided_slice %add3A_474 {offsets = [0, 64], sizes = [2560, 64], strides = [1, 1]} : vector<2560x256xf32> to vector<2560x64xf32>
    %logistic3A_483 = arith.negf %slice3A_482 : vector<2560x64xf32>
    %logistic3A_484 = math.exp %logistic3A_483 : vector<2560x64xf32>
    %logistic3A_485 = arith.constant 1.000000e+00 : f32
    %logistic3A_486 = vector.broadcast %logistic3A_485 : f32 to vector<2560x64xf32>
    %logistic3A_487 = arith.addf %logistic3A_486, %logistic3A_484 : vector<2560x64xf32>
    %logistic3A_488 = arith.divf %logistic3A_486, %logistic3A_487 : vector<2560x64xf32>
    %slice3A_489 = vector.extract_strided_slice %add3A_474 {offsets = [0, 128], sizes = [2560, 64], strides = [1, 1]} : vector<2560x256xf32> to vector<2560x64xf32>
    %tanh3A_490 = math.tanh %slice3A_489 : vector<2560x64xf32>
    %slice3A_491 = vector.extract_strided_slice %add3A_474 {offsets = [0, 192], sizes = [2560, 64], strides = [1, 1]} : vector<2560x256xf32> to vector<2560x64xf32>
    %logistic3A_492 = arith.negf %slice3A_491 : vector<2560x64xf32>
    %logistic3A_493 = math.exp %logistic3A_492 : vector<2560x64xf32>
    %logistic3A_494 = arith.constant 1.000000e+00 : f32
    %logistic3A_495 = vector.broadcast %logistic3A_494 : f32 to vector<2560x64xf32>
    %logistic3A_496 = arith.addf %logistic3A_495, %logistic3A_493 : vector<2560x64xf32>
    %logistic3A_497 = arith.divf %logistic3A_495, %logistic3A_496 : vector<2560x64xf32>
    %mul3A_498 = arith.mulf %logistic3A_488, %add3A_455 : vector<2560x64xf32>
    %mul3A_499 = arith.mulf %logistic3A_481, %tanh3A_490 : vector<2560x64xf32>
    %add3A_500 = arith.addf %mul3A_498, %mul3A_499 : vector<2560x64xf32>
    %tanh3A_501 = math.tanh %add3A_500 : vector<2560x64xf32>
    %mul3A_502 = arith.mulf %logistic3A_497, %tanh3A_501 : vector<2560x64xf32>
    %slice3A_503 = vector.extract_strided_slice %get3A_1 {offsets = [0, 22], sizes = [2560, 2], strides = [1, 1]} : vector<2560x32xf32> to vector<2560x2xf32>
    %dot_general3A_504 = arith.constant dense<0.000000e+00> : vector<2560x32xf32>
    %dot_general3A_505 = tpu.matmul %slice3A_503, %get3A_4, %dot_general3A_504 {dimension_numbers = #tpu.dot_dimension_numbers<[1], [0], [0], [1], [0, 0, 1, 1], [], []>, transpose_lhs_hint = false} : vector<2560x2xf32>, vector<2x32xf32>, vector<2560x32xf32> -> vector<2560x32xf32>
    %add3A_506 = vector.broadcast %get3A_7 : vector<1x32xf32> to vector<2560x32xf32>
    %add3A_507 = arith.addf %dot_general3A_505, %add3A_506 : vector<2560x32xf32>
    %ge3A_508 = arith.constant 0.000000e+00 : f32
    %ge3A_509 = vector.broadcast %ge3A_508 : f32 to vector<2560x32xf32>
    %ge3A_510 = arith.cmpf oge, %add3A_507, %ge3A_509 : vector<2560x32xf32>
    %mul3A_511 = arith.constant 1.000000e-01 : f32
    %mul3A_512 = vector.broadcast %mul3A_511 : f32 to vector<2560x32xf32>
    %mul3A_513 = arith.mulf %mul3A_512, %add3A_507 : vector<2560x32xf32>
    %select_n3A_514 = arith.select %ge3A_510, %add3A_507, %mul3A_513 : vector<2560x32xi1>, vector<2560x32xf32>
    %concatenate3A_515 = tpu.concatenate %select_n3A_514, %mul3A_502 in 1 : vector<2560x32xf32>, vector<2560x64xf32> -> vector<2560x96xf32>
    %dot_general3A_516 = arith.constant dense<0.000000e+00> : vector<2560x256xf32>
    %dot_general3A_517 = tpu.matmul %concatenate3A_515, %get3A_10, %dot_general3A_516 {dimension_numbers = #tpu.dot_dimension_numbers<[1], [0], [0], [1], [0, 0, 1, 1], [], []>, transpose_lhs_hint = false} : vector<2560x96xf32>, vector<96x256xf32>, vector<2560x256xf32> -> vector<2560x256xf32>
    %add3A_518 = vector.broadcast %get3A_13 : vector<1x256xf32> to vector<2560x256xf32>
    %add3A_519 = arith.addf %dot_general3A_517, %add3A_518 : vector<2560x256xf32>
    %slice3A_520 = vector.extract_strided_slice %add3A_519 {offsets = [0, 0], sizes = [2560, 64], strides = [1, 1]} : vector<2560x256xf32> to vector<2560x64xf32>
    %logistic3A_521 = arith.negf %slice3A_520 : vector<2560x64xf32>
    %logistic3A_522 = math.exp %logistic3A_521 : vector<2560x64xf32>
    %logistic3A_523 = arith.constant 1.000000e+00 : f32
    %logistic3A_524 = vector.broadcast %logistic3A_523 : f32 to vector<2560x64xf32>
    %logistic3A_525 = arith.addf %logistic3A_524, %logistic3A_522 : vector<2560x64xf32>
    %logistic3A_526 = arith.divf %logistic3A_524, %logistic3A_525 : vector<2560x64xf32>
    %slice3A_527 = vector.extract_strided_slice %add3A_519 {offsets = [0, 64], sizes = [2560, 64], strides = [1, 1]} : vector<2560x256xf32> to vector<2560x64xf32>
    %logistic3A_528 = arith.negf %slice3A_527 : vector<2560x64xf32>
    %logistic3A_529 = math.exp %logistic3A_528 : vector<2560x64xf32>
    %logistic3A_530 = arith.constant 1.000000e+00 : f32
    %logistic3A_531 = vector.broadcast %logistic3A_530 : f32 to vector<2560x64xf32>
    %logistic3A_532 = arith.addf %logistic3A_531, %logistic3A_529 : vector<2560x64xf32>
    %logistic3A_533 = arith.divf %logistic3A_531, %logistic3A_532 : vector<2560x64xf32>
    %slice3A_534 = vector.extract_strided_slice %add3A_519 {offsets = [0, 128], sizes = [2560, 64], strides = [1, 1]} : vector<2560x256xf32> to vector<2560x64xf32>
    %tanh3A_535 = math.tanh %slice3A_534 : vector<2560x64xf32>
    %slice3A_536 = vector.extract_strided_slice %add3A_519 {offsets = [0, 192], sizes = [2560, 64], strides = [1, 1]} : vector<2560x256xf32> to vector<2560x64xf32>
    %logistic3A_537 = arith.negf %slice3A_536 : vector<2560x64xf32>
    %logistic3A_538 = math.exp %logistic3A_537 : vector<2560x64xf32>
    %logistic3A_539 = arith.constant 1.000000e+00 : f32
    %logistic3A_540 = vector.broadcast %logistic3A_539 : f32 to vector<2560x64xf32>
    %logistic3A_541 = arith.addf %logistic3A_540, %logistic3A_538 : vector<2560x64xf32>
    %logistic3A_542 = arith.divf %logistic3A_540, %logistic3A_541 : vector<2560x64xf32>
    %mul3A_543 = arith.mulf %logistic3A_533, %add3A_500 : vector<2560x64xf32>
    %mul3A_544 = arith.mulf %logistic3A_526, %tanh3A_535 : vector<2560x64xf32>
    %add3A_545 = arith.addf %mul3A_543, %mul3A_544 : vector<2560x64xf32>
    %tanh3A_546 = math.tanh %add3A_545 : vector<2560x64xf32>
    %mul3A_547 = arith.mulf %logistic3A_542, %tanh3A_546 : vector<2560x64xf32>
    %slice3A_548 = vector.extract_strided_slice %get3A_1 {offsets = [0, 24], sizes = [2560, 2], strides = [1, 1]} : vector<2560x32xf32> to vector<2560x2xf32>
    %dot_general3A_549 = arith.constant dense<0.000000e+00> : vector<2560x32xf32>
    %dot_general3A_550 = tpu.matmul %slice3A_548, %get3A_4, %dot_general3A_549 {dimension_numbers = #tpu.dot_dimension_numbers<[1], [0], [0], [1], [0, 0, 1, 1], [], []>, transpose_lhs_hint = false} : vector<2560x2xf32>, vector<2x32xf32>, vector<2560x32xf32> -> vector<2560x32xf32>
    %add3A_551 = vector.broadcast %get3A_7 : vector<1x32xf32> to vector<2560x32xf32>
    %add3A_552 = arith.addf %dot_general3A_550, %add3A_551 : vector<2560x32xf32>
    %ge3A_553 = arith.constant 0.000000e+00 : f32
    %ge3A_554 = vector.broadcast %ge3A_553 : f32 to vector<2560x32xf32>
    %ge3A_555 = arith.cmpf oge, %add3A_552, %ge3A_554 : vector<2560x32xf32>
    %mul3A_556 = arith.constant 1.000000e-01 : f32
    %mul3A_557 = vector.broadcast %mul3A_556 : f32 to vector<2560x32xf32>
    %mul3A_558 = arith.mulf %mul3A_557, %add3A_552 : vector<2560x32xf32>
    %select_n3A_559 = arith.select %ge3A_555, %add3A_552, %mul3A_558 : vector<2560x32xi1>, vector<2560x32xf32>
    %concatenate3A_560 = tpu.concatenate %select_n3A_559, %mul3A_547 in 1 : vector<2560x32xf32>, vector<2560x64xf32> -> vector<2560x96xf32>
    %dot_general3A_561 = arith.constant dense<0.000000e+00> : vector<2560x256xf32>
    %dot_general3A_562 = tpu.matmul %concatenate3A_560, %get3A_10, %dot_general3A_561 {dimension_numbers = #tpu.dot_dimension_numbers<[1], [0], [0], [1], [0, 0, 1, 1], [], []>, transpose_lhs_hint = false} : vector<2560x96xf32>, vector<96x256xf32>, vector<2560x256xf32> -> vector<2560x256xf32>
    %add3A_563 = vector.broadcast %get3A_13 : vector<1x256xf32> to vector<2560x256xf32>
    %add3A_564 = arith.addf %dot_general3A_562, %add3A_563 : vector<2560x256xf32>
    %slice3A_565 = vector.extract_strided_slice %add3A_564 {offsets = [0, 0], sizes = [2560, 64], strides = [1, 1]} : vector<2560x256xf32> to vector<2560x64xf32>
    %logistic3A_566 = arith.negf %slice3A_565 : vector<2560x64xf32>
    %logistic3A_567 = math.exp %logistic3A_566 : vector<2560x64xf32>
    %logistic3A_568 = arith.constant 1.000000e+00 : f32
    %logistic3A_569 = vector.broadcast %logistic3A_568 : f32 to vector<2560x64xf32>
    %logistic3A_570 = arith.addf %logistic3A_569, %logistic3A_567 : vector<2560x64xf32>
    %logistic3A_571 = arith.divf %logistic3A_569, %logistic3A_570 : vector<2560x64xf32>
    %slice3A_572 = vector.extract_strided_slice %add3A_564 {offsets = [0, 64], sizes = [2560, 64], strides = [1, 1]} : vector<2560x256xf32> to vector<2560x64xf32>
    %logistic3A_573 = arith.negf %slice3A_572 : vector<2560x64xf32>
    %logistic3A_574 = math.exp %logistic3A_573 : vector<2560x64xf32>
    %logistic3A_575 = arith.constant 1.000000e+00 : f32
    %logistic3A_576 = vector.broadcast %logistic3A_575 : f32 to vector<2560x64xf32>
    %logistic3A_577 = arith.addf %logistic3A_576, %logistic3A_574 : vector<2560x64xf32>
    %logistic3A_578 = arith.divf %logistic3A_576, %logistic3A_577 : vector<2560x64xf32>
    %slice3A_579 = vector.extract_strided_slice %add3A_564 {offsets = [0, 128], sizes = [2560, 64], strides = [1, 1]} : vector<2560x256xf32> to vector<2560x64xf32>
    %tanh3A_580 = math.tanh %slice3A_579 : vector<2560x64xf32>
    %slice3A_581 = vector.extract_strided_slice %add3A_564 {offsets = [0, 192], sizes = [2560, 64], strides = [1, 1]} : vector<2560x256xf32> to vector<2560x64xf32>
    %logistic3A_582 = arith.negf %slice3A_581 : vector<2560x64xf32>
    %logistic3A_583 = math.exp %logistic3A_582 : vector<2560x64xf32>
    %logistic3A_584 = arith.constant 1.000000e+00 : f32
    %logistic3A_585 = vector.broadcast %logistic3A_584 : f32 to vector<2560x64xf32>
    %logistic3A_586 = arith.addf %logistic3A_585, %logistic3A_583 : vector<2560x64xf32>
    %logistic3A_587 = arith.divf %logistic3A_585, %logistic3A_586 : vector<2560x64xf32>
    %mul3A_588 = arith.mulf %logistic3A_578, %add3A_545 : vector<2560x64xf32>
    %mul3A_589 = arith.mulf %logistic3A_571, %tanh3A_580 : vector<2560x64xf32>
    %add3A_590 = arith.addf %mul3A_588, %mul3A_589 : vector<2560x64xf32>
    %tanh3A_591 = math.tanh %add3A_590 : vector<2560x64xf32>
    %mul3A_592 = arith.mulf %logistic3A_587, %tanh3A_591 : vector<2560x64xf32>
    %slice3A_593 = vector.extract_strided_slice %get3A_1 {offsets = [0, 26], sizes = [2560, 2], strides = [1, 1]} : vector<2560x32xf32> to vector<2560x2xf32>
    %dot_general3A_594 = arith.constant dense<0.000000e+00> : vector<2560x32xf32>
    %dot_general3A_595 = tpu.matmul %slice3A_593, %get3A_4, %dot_general3A_594 {dimension_numbers = #tpu.dot_dimension_numbers<[1], [0], [0], [1], [0, 0, 1, 1], [], []>, transpose_lhs_hint = false} : vector<2560x2xf32>, vector<2x32xf32>, vector<2560x32xf32> -> vector<2560x32xf32>
    %add3A_596 = vector.broadcast %get3A_7 : vector<1x32xf32> to vector<2560x32xf32>
    %add3A_597 = arith.addf %dot_general3A_595, %add3A_596 : vector<2560x32xf32>
    %ge3A_598 = arith.constant 0.000000e+00 : f32
    %ge3A_599 = vector.broadcast %ge3A_598 : f32 to vector<2560x32xf32>
    %ge3A_600 = arith.cmpf oge, %add3A_597, %ge3A_599 : vector<2560x32xf32>
    %mul3A_601 = arith.constant 1.000000e-01 : f32
    %mul3A_602 = vector.broadcast %mul3A_601 : f32 to vector<2560x32xf32>
    %mul3A_603 = arith.mulf %mul3A_602, %add3A_597 : vector<2560x32xf32>
    %select_n3A_604 = arith.select %ge3A_600, %add3A_597, %mul3A_603 : vector<2560x32xi1>, vector<2560x32xf32>
    %concatenate3A_605 = tpu.concatenate %select_n3A_604, %mul3A_592 in 1 : vector<2560x32xf32>, vector<2560x64xf32> -> vector<2560x96xf32>
    %dot_general3A_606 = arith.constant dense<0.000000e+00> : vector<2560x256xf32>
    %dot_general3A_607 = tpu.matmul %concatenate3A_605, %get3A_10, %dot_general3A_606 {dimension_numbers = #tpu.dot_dimension_numbers<[1], [0], [0], [1], [0, 0, 1, 1], [], []>, transpose_lhs_hint = false} : vector<2560x96xf32>, vector<96x256xf32>, vector<2560x256xf32> -> vector<2560x256xf32>
    %add3A_608 = vector.broadcast %get3A_13 : vector<1x256xf32> to vector<2560x256xf32>
    %add3A_609 = arith.addf %dot_general3A_607, %add3A_608 : vector<2560x256xf32>
    %slice3A_610 = vector.extract_strided_slice %add3A_609 {offsets = [0, 0], sizes = [2560, 64], strides = [1, 1]} : vector<2560x256xf32> to vector<2560x64xf32>
    %logistic3A_611 = arith.negf %slice3A_610 : vector<2560x64xf32>
    %logistic3A_612 = math.exp %logistic3A_611 : vector<2560x64xf32>
    %logistic3A_613 = arith.constant 1.000000e+00 : f32
    %logistic3A_614 = vector.broadcast %logistic3A_613 : f32 to vector<2560x64xf32>
    %logistic3A_615 = arith.addf %logistic3A_614, %logistic3A_612 : vector<2560x64xf32>
    %logistic3A_616 = arith.divf %logistic3A_614, %logistic3A_615 : vector<2560x64xf32>
    %slice3A_617 = vector.extract_strided_slice %add3A_609 {offsets = [0, 64], sizes = [2560, 64], strides = [1, 1]} : vector<2560x256xf32> to vector<2560x64xf32>
    %logistic3A_618 = arith.negf %slice3A_617 : vector<2560x64xf32>
    %logistic3A_619 = math.exp %logistic3A_618 : vector<2560x64xf32>
    %logistic3A_620 = arith.constant 1.000000e+00 : f32
    %logistic3A_621 = vector.broadcast %logistic3A_620 : f32 to vector<2560x64xf32>
    %logistic3A_622 = arith.addf %logistic3A_621, %logistic3A_619 : vector<2560x64xf32>
    %logistic3A_623 = arith.divf %logistic3A_621, %logistic3A_622 : vector<2560x64xf32>
    %slice3A_624 = vector.extract_strided_slice %add3A_609 {offsets = [0, 128], sizes = [2560, 64], strides = [1, 1]} : vector<2560x256xf32> to vector<2560x64xf32>
    %tanh3A_625 = math.tanh %slice3A_624 : vector<2560x64xf32>
    %slice3A_626 = vector.extract_strided_slice %add3A_609 {offsets = [0, 192], sizes = [2560, 64], strides = [1, 1]} : vector<2560x256xf32> to vector<2560x64xf32>
    %logistic3A_627 = arith.negf %slice3A_626 : vector<2560x64xf32>
    %logistic3A_628 = math.exp %logistic3A_627 : vector<2560x64xf32>
    %logistic3A_629 = arith.constant 1.000000e+00 : f32
    %logistic3A_630 = vector.broadcast %logistic3A_629 : f32 to vector<2560x64xf32>
    %logistic3A_631 = arith.addf %logistic3A_630, %logistic3A_628 : vector<2560x64xf32>
    %logistic3A_632 = arith.divf %logistic3A_630, %logistic3A_631 : vector<2560x64xf32>
    %mul3A_633 = arith.mulf %logistic3A_623, %add3A_590 : vector<2560x64xf32>
    %mul3A_634 = arith.mulf %logistic3A_616, %tanh3A_625 : vector<2560x64xf32>
    %add3A_635 = arith.addf %mul3A_633, %mul3A_634 : vector<2560x64xf32>
    %tanh3A_636 = math.tanh %add3A_635 : vector<2560x64xf32>
    %mul3A_637 = arith.mulf %logistic3A_632, %tanh3A_636 : vector<2560x64xf32>
    %slice3A_638 = vector.extract_strided_slice %get3A_1 {offsets = [0, 28], sizes = [2560, 2], strides = [1, 1]} : vector<2560x32xf32> to vector<2560x2xf32>
    %dot_general3A_639 = arith.constant dense<0.000000e+00> : vector<2560x32xf32>
    %dot_general3A_640 = tpu.matmul %slice3A_638, %get3A_4, %dot_general3A_639 {dimension_numbers = #tpu.dot_dimension_numbers<[1], [0], [0], [1], [0, 0, 1, 1], [], []>, transpose_lhs_hint = false} : vector<2560x2xf32>, vector<2x32xf32>, vector<2560x32xf32> -> vector<2560x32xf32>
    %add3A_641 = vector.broadcast %get3A_7 : vector<1x32xf32> to vector<2560x32xf32>
    %add3A_642 = arith.addf %dot_general3A_640, %add3A_641 : vector<2560x32xf32>
    %ge3A_643 = arith.constant 0.000000e+00 : f32
    %ge3A_644 = vector.broadcast %ge3A_643 : f32 to vector<2560x32xf32>
    %ge3A_645 = arith.cmpf oge, %add3A_642, %ge3A_644 : vector<2560x32xf32>
    %mul3A_646 = arith.constant 1.000000e-01 : f32
    %mul3A_647 = vector.broadcast %mul3A_646 : f32 to vector<2560x32xf32>
    %mul3A_648 = arith.mulf %mul3A_647, %add3A_642 : vector<2560x32xf32>
    %select_n3A_649 = arith.select %ge3A_645, %add3A_642, %mul3A_648 : vector<2560x32xi1>, vector<2560x32xf32>
    %concatenate3A_650 = tpu.concatenate %select_n3A_649, %mul3A_637 in 1 : vector<2560x32xf32>, vector<2560x64xf32> -> vector<2560x96xf32>
    %dot_general3A_651 = arith.constant dense<0.000000e+00> : vector<2560x256xf32>
    %dot_general3A_652 = tpu.matmul %concatenate3A_650, %get3A_10, %dot_general3A_651 {dimension_numbers = #tpu.dot_dimension_numbers<[1], [0], [0], [1], [0, 0, 1, 1], [], []>, transpose_lhs_hint = false} : vector<2560x96xf32>, vector<96x256xf32>, vector<2560x256xf32> -> vector<2560x256xf32>
    %add3A_653 = vector.broadcast %get3A_13 : vector<1x256xf32> to vector<2560x256xf32>
    %add3A_654 = arith.addf %dot_general3A_652, %add3A_653 : vector<2560x256xf32>
    %slice3A_655 = vector.extract_strided_slice %add3A_654 {offsets = [0, 0], sizes = [2560, 64], strides = [1, 1]} : vector<2560x256xf32> to vector<2560x64xf32>
    %logistic3A_656 = arith.negf %slice3A_655 : vector<2560x64xf32>
    %logistic3A_657 = math.exp %logistic3A_656 : vector<2560x64xf32>
    %logistic3A_658 = arith.constant 1.000000e+00 : f32
    %logistic3A_659 = vector.broadcast %logistic3A_658 : f32 to vector<2560x64xf32>
    %logistic3A_660 = arith.addf %logistic3A_659, %logistic3A_657 : vector<2560x64xf32>
    %logistic3A_661 = arith.divf %logistic3A_659, %logistic3A_660 : vector<2560x64xf32>
    %slice3A_662 = vector.extract_strided_slice %add3A_654 {offsets = [0, 64], sizes = [2560, 64], strides = [1, 1]} : vector<2560x256xf32> to vector<2560x64xf32>
    %logistic3A_663 = arith.negf %slice3A_662 : vector<2560x64xf32>
    %logistic3A_664 = math.exp %logistic3A_663 : vector<2560x64xf32>
    %logistic3A_665 = arith.constant 1.000000e+00 : f32
    %logistic3A_666 = vector.broadcast %logistic3A_665 : f32 to vector<2560x64xf32>
    %logistic3A_667 = arith.addf %logistic3A_666, %logistic3A_664 : vector<2560x64xf32>
    %logistic3A_668 = arith.divf %logistic3A_666, %logistic3A_667 : vector<2560x64xf32>
    %slice3A_669 = vector.extract_strided_slice %add3A_654 {offsets = [0, 128], sizes = [2560, 64], strides = [1, 1]} : vector<2560x256xf32> to vector<2560x64xf32>
    %tanh3A_670 = math.tanh %slice3A_669 : vector<2560x64xf32>
    %slice3A_671 = vector.extract_strided_slice %add3A_654 {offsets = [0, 192], sizes = [2560, 64], strides = [1, 1]} : vector<2560x256xf32> to vector<2560x64xf32>
    %logistic3A_672 = arith.negf %slice3A_671 : vector<2560x64xf32>
    %logistic3A_673 = math.exp %logistic3A_672 : vector<2560x64xf32>
    %logistic3A_674 = arith.constant 1.000000e+00 : f32
    %logistic3A_675 = vector.broadcast %logistic3A_674 : f32 to vector<2560x64xf32>
    %logistic3A_676 = arith.addf %logistic3A_675, %logistic3A_673 : vector<2560x64xf32>
    %logistic3A_677 = arith.divf %logistic3A_675, %logistic3A_676 : vector<2560x64xf32>
    %mul3A_678 = arith.mulf %logistic3A_668, %add3A_635 : vector<2560x64xf32>
    %mul3A_679 = arith.mulf %logistic3A_661, %tanh3A_670 : vector<2560x64xf32>
    %add3A_680 = arith.addf %mul3A_678, %mul3A_679 : vector<2560x64xf32>
    %tanh3A_681 = math.tanh %add3A_680 : vector<2560x64xf32>
    %mul3A_682 = arith.mulf %logistic3A_677, %tanh3A_681 : vector<2560x64xf32>
    %slice3A_683 = vector.extract_strided_slice %get3A_1 {offsets = [0, 30], sizes = [2560, 2], strides = [1, 1]} : vector<2560x32xf32> to vector<2560x2xf32>
    %dot_general3A_684 = arith.constant dense<0.000000e+00> : vector<2560x32xf32>
    %dot_general3A_685 = tpu.matmul %slice3A_683, %get3A_4, %dot_general3A_684 {dimension_numbers = #tpu.dot_dimension_numbers<[1], [0], [0], [1], [0, 0, 1, 1], [], []>, transpose_lhs_hint = false} : vector<2560x2xf32>, vector<2x32xf32>, vector<2560x32xf32> -> vector<2560x32xf32>
    %add3A_686 = vector.broadcast %get3A_7 : vector<1x32xf32> to vector<2560x32xf32>
    %add3A_687 = arith.addf %dot_general3A_685, %add3A_686 : vector<2560x32xf32>
    %ge3A_688 = arith.constant 0.000000e+00 : f32
    %ge3A_689 = vector.broadcast %ge3A_688 : f32 to vector<2560x32xf32>
    %ge3A_690 = arith.cmpf oge, %add3A_687, %ge3A_689 : vector<2560x32xf32>
    %mul3A_691 = arith.constant 1.000000e-01 : f32
    %mul3A_692 = vector.broadcast %mul3A_691 : f32 to vector<2560x32xf32>
    %mul3A_693 = arith.mulf %mul3A_692, %add3A_687 : vector<2560x32xf32>
    %select_n3A_694 = arith.select %ge3A_690, %add3A_687, %mul3A_693 : vector<2560x32xi1>, vector<2560x32xf32>
    %concatenate3A_695 = tpu.concatenate %select_n3A_694, %mul3A_682 in 1 : vector<2560x32xf32>, vector<2560x64xf32> -> vector<2560x96xf32>
    %dot_general3A_696 = arith.constant dense<0.000000e+00> : vector<2560x256xf32>
    %dot_general3A_697 = tpu.matmul %concatenate3A_695, %get3A_10, %dot_general3A_696 {dimension_numbers = #tpu.dot_dimension_numbers<[1], [0], [0], [1], [0, 0, 1, 1], [], []>, transpose_lhs_hint = false} : vector<2560x96xf32>, vector<96x256xf32>, vector<2560x256xf32> -> vector<2560x256xf32>
    %add3A_698 = vector.broadcast %get3A_13 : vector<1x256xf32> to vector<2560x256xf32>
    %add3A_699 = arith.addf %dot_general3A_697, %add3A_698 : vector<2560x256xf32>
    %slice3A_700 = vector.extract_strided_slice %add3A_699 {offsets = [0, 0], sizes = [2560, 64], strides = [1, 1]} : vector<2560x256xf32> to vector<2560x64xf32>
    %logistic3A_701 = arith.negf %slice3A_700 : vector<2560x64xf32>
    %logistic3A_702 = math.exp %logistic3A_701 : vector<2560x64xf32>
    %logistic3A_703 = arith.constant 1.000000e+00 : f32
    %logistic3A_704 = vector.broadcast %logistic3A_703 : f32 to vector<2560x64xf32>
    %logistic3A_705 = arith.addf %logistic3A_704, %logistic3A_702 : vector<2560x64xf32>
    %logistic3A_706 = arith.divf %logistic3A_704, %logistic3A_705 : vector<2560x64xf32>
    %slice3A_707 = vector.extract_strided_slice %add3A_699 {offsets = [0, 64], sizes = [2560, 64], strides = [1, 1]} : vector<2560x256xf32> to vector<2560x64xf32>
    %logistic3A_708 = arith.negf %slice3A_707 : vector<2560x64xf32>
    %logistic3A_709 = math.exp %logistic3A_708 : vector<2560x64xf32>
    %logistic3A_710 = arith.constant 1.000000e+00 : f32
    %logistic3A_711 = vector.broadcast %logistic3A_710 : f32 to vector<2560x64xf32>
    %logistic3A_712 = arith.addf %logistic3A_711, %logistic3A_709 : vector<2560x64xf32>
    %logistic3A_713 = arith.divf %logistic3A_711, %logistic3A_712 : vector<2560x64xf32>
    %slice3A_714 = vector.extract_strided_slice %add3A_699 {offsets = [0, 128], sizes = [2560, 64], strides = [1, 1]} : vector<2560x256xf32> to vector<2560x64xf32>
    %tanh3A_715 = math.tanh %slice3A_714 : vector<2560x64xf32>
    %slice3A_716 = vector.extract_strided_slice %add3A_699 {offsets = [0, 192], sizes = [2560, 64], strides = [1, 1]} : vector<2560x256xf32> to vector<2560x64xf32>
    %logistic3A_717 = arith.negf %slice3A_716 : vector<2560x64xf32>
    %logistic3A_718 = math.exp %logistic3A_717 : vector<2560x64xf32>
    %logistic3A_719 = arith.constant 1.000000e+00 : f32
    %logistic3A_720 = vector.broadcast %logistic3A_719 : f32 to vector<2560x64xf32>
    %logistic3A_721 = arith.addf %logistic3A_720, %logistic3A_718 : vector<2560x64xf32>
    %logistic3A_722 = arith.divf %logistic3A_720, %logistic3A_721 : vector<2560x64xf32>
    %mul3A_723 = arith.mulf %logistic3A_713, %add3A_680 : vector<2560x64xf32>
    %mul3A_724 = arith.mulf %logistic3A_706, %tanh3A_715 : vector<2560x64xf32>
    %add3A_725 = arith.addf %mul3A_723, %mul3A_724 : vector<2560x64xf32>
    %tanh3A_726 = math.tanh %add3A_725 : vector<2560x64xf32>
    %mul3A_727 = arith.mulf %logistic3A_722, %tanh3A_726 : vector<2560x64xf32>
    %slice3A_728 = vector.extract_strided_slice %get3A_1 {offsets = [0, 30], sizes = [2560, 2], strides = [1, 1]} : vector<2560x32xf32> to vector<2560x2xf32>
    %get3A_729 = arith.constant 0 : index
    %get3A_730 = arith.constant 0 : index
    %get3A_731 = vector.load %arg7[%get3A_729, %get3A_730] : memref<2x64xf32, #tpu.memory_space<vmem>>, vector<2x64xf32>
    %dot_general3A_732 = arith.constant dense<0.000000e+00> : vector<2560x64xf32>
    %dot_general3A_733 = tpu.matmul %slice3A_728, %get3A_731, %dot_general3A_732 {dimension_numbers = #tpu.dot_dimension_numbers<[1], [0], [0], [1], [0, 0, 1, 1], [], []>, transpose_lhs_hint = false} : vector<2560x2xf32>, vector<2x64xf32>, vector<2560x64xf32> -> vector<2560x64xf32>
    %get3A_734 = arith.constant 0 : index
    %get3A_735 = arith.constant 0 : index
    %get3A_736 = vector.load %arg8[%get3A_734, %get3A_735] : memref<1x64xf32, #tpu.memory_space<vmem>>, vector<1x64xf32>
    %add3A_737 = vector.broadcast %get3A_736 : vector<1x64xf32> to vector<2560x64xf32>
    %add3A_738 = arith.addf %dot_general3A_733, %add3A_737 : vector<2560x64xf32>
    %concatenate3A_739 = tpu.concatenate %add3A_738, %mul3A_727 in 1 : vector<2560x64xf32>, vector<2560x64xf32> -> vector<2560x128xf32>
    %get3A_740 = arith.constant 0 : index
    %get3A_741 = arith.constant 0 : index
    %get3A_742 = vector.load %arg9[%get3A_740, %get3A_741] : memref<128x256xf32, #tpu.memory_space<vmem>>, vector<128x256xf32>
    %dot_general3A_743 = arith.constant dense<0.000000e+00> : vector<2560x256xf32>
    %dot_general3A_744 = tpu.matmul %concatenate3A_739, %get3A_742, %dot_general3A_743 {dimension_numbers = #tpu.dot_dimension_numbers<[1], [0], [0], [1], [0, 0, 1, 1], [], []>, transpose_lhs_hint = false} : vector<2560x128xf32>, vector<128x256xf32>, vector<2560x256xf32> -> vector<2560x256xf32>
    %get3A_745 = arith.constant 0 : index
    %get3A_746 = arith.constant 0 : index
    %get3A_747 = vector.load %arg10[%get3A_745, %get3A_746] : memref<1x256xf32, #tpu.memory_space<vmem>>, vector<1x256xf32>
    %add3A_748 = vector.broadcast %get3A_747 : vector<1x256xf32> to vector<2560x256xf32>
    %add3A_749 = arith.addf %dot_general3A_744, %add3A_748 : vector<2560x256xf32>
    %max3A = arith.constant 0.000000e+00 : f32
    %max3A_750 = vector.broadcast %max3A : f32 to vector<2560x256xf32>
    %max3A_751 = arith.maximumf %add3A_749, %max3A_750 : vector<2560x256xf32>
    %reshape3A = vector.shape_cast %max3A_751 : vector<2560x256xf32> to vector<64x40x256xf32>
    %get3A_752 = arith.constant 0 : index
    %get3A_753 = arith.constant 0 : index
    %get3A_754 = vector.load %arg2[%get3A_752, %get3A_753] : memref<64x40xf32, #tpu.memory_space<vmem>>, vector<64x40xf32>
    %reshape3A_755 = vector.shape_cast %get3A_754 : vector<64x40xf32> to vector<64x40x1xf32>
    %add3A_756 = vector.broadcast %reshape3A_755 : vector<64x40x1xf32> to vector<64x40x256xf32>
    %add3A_757 = arith.addf %reshape3A, %add3A_756 : vector<64x40x256xf32>
    %reduce_max3A = arith.constant dense<0xFF800000> : vector<64x256xf32>
    %reduce_max3A_758 = vector.multi_reduction <maximumf>, %add3A_757, %reduce_max3A [1] : vector<64x40x256xf32> to vector<64x256xf32>
    %max3A_759 = arith.constant 0.000000e+00 : f32
    %max3A_760 = vector.broadcast %max3A_759 : f32 to vector<64x256xf32>
    %max3A_761 = arith.maximumf %reduce_max3A_758, %max3A_760 : vector<64x256xf32>
    %swap3A = arith.constant 0 : index
    %swap3A_762 = arith.constant 0 : index
    %swap3A_763 = vector.load %arg11[%swap3A, %swap3A_762] : memref<64x256xf32, #tpu.memory_space<vmem>>, vector<64x256xf32>
    tpu.vector_store %arg11[%swap3A, %swap3A_762], %max3A_761 {strides = array<i32>} : memref<64x256xf32, #tpu.memory_space<vmem>>, vector<64x256xf32>,
    return
  }
  func.func @transform_0(%arg0: i32) -> (i32, i32) {
    %c0_i32 = arith.constant 0 : i32
    %c0_i32_0 = arith.constant 0 : i32
    return %arg0, %c0_i32 : i32, i32
  }
  func.func @transform_1(%arg0: i32) -> (i32, i32) {
    %c0_i32 = arith.constant 0 : i32
    %c0_i32_0 = arith.constant 0 : i32
    return %arg0, %c0_i32 : i32, i32
  }
  func.func @transform_2(%arg0: i32) -> (i32, i32) {
    %c0_i32 = arith.constant 0 : i32
    %c0_i32_0 = arith.constant 0 : i32
    %c0_i32_1 = arith.constant 0 : i32
    return %c0_i32, %c0_i32_0 : i32, i32
  }
  func.func @transform_3(%arg0: i32) -> (i32, i32) {
    %c0_i32 = arith.constant 0 : i32
    %c0_i32_0 = arith.constant 0 : i32
    %c0_i32_1 = arith.constant 0 : i32
    return %c0_i32, %c0_i32_0 : i32, i32
  }
  func.func @transform_4(%arg0: i32) -> (i32, i32) {
    %c0_i32 = arith.constant 0 : i32
    %c0_i32_0 = arith.constant 0 : i32
    %c0_i32_1 = arith.constant 0 : i32
    return %c0_i32, %c0_i32_0 : i32, i32
  }
  func.func @transform_5(%arg0: i32) -> (i32, i32) {
    %c0_i32 = arith.constant 0 : i32
    %c0_i32_0 = arith.constant 0 : i32
    %c0_i32_1 = arith.constant 0 : i32
    return %c0_i32, %c0_i32_0 : i32, i32
  }
  func.func @transform_6(%arg0: i32) -> (i32, i32) {
    %c0_i32 = arith.constant 0 : i32
    %c0_i32_0 = arith.constant 0 : i32
    %c0_i32_1 = arith.constant 0 : i32
    return %c0_i32, %c0_i32_0 : i32, i32
  }
  func.func @transform_7(%arg0: i32) -> (i32, i32) {
    %c0_i32 = arith.constant 0 : i32
    %c0_i32_0 = arith.constant 0 : i32
    %c0_i32_1 = arith.constant 0 : i32
    return %c0_i32, %c0_i32_0 : i32, i32
  }
  func.func @transform_8(%arg0: i32) -> (i32, i32) {
    %c0_i32 = arith.constant 0 : i32
    %c0_i32_0 = arith.constant 0 : i32
    %c0_i32_1 = arith.constant 0 : i32
    return %c0_i32, %c0_i32_0 : i32, i32
  }
  func.func @transform_9(%arg0: i32) -> (i32, i32) {
    %c0_i32 = arith.constant 0 : i32
    %c0_i32_0 = arith.constant 0 : i32
    %c0_i32_1 = arith.constant 0 : i32
    return %c0_i32, %c0_i32_0 : i32, i32
  }
  func.func @transform_10(%arg0: i32) -> (i32, i32) {
    %c0_i32 = arith.constant 0 : i32
    %c0_i32_0 = arith.constant 0 : i32
    return %arg0, %c0_i32 : i32, i32
  }
}

module attributes {stable_mosaic.version = 14 : i64} {
  func.func @_dec_kernel(%arg0: memref<16x1024x2xf32, #tpu.memory_space<vmem>>, %arg1: memref<1024x256xf32, #tpu.memory_space<vmem>>, %arg2: memref<1024x3xf32, #tpu.memory_space<vmem>>, %arg3: memref<1024x2xf32, #tpu.memory_space<vmem>>, %arg4: memref<2x32xf32, #tpu.memory_space<vmem>>, %arg5: memref<1x32xf32, #tpu.memory_space<vmem>>, %arg6: memref<96x256xf32, #tpu.memory_space<vmem>>, %arg7: memref<1x256xf32, #tpu.memory_space<vmem>>, %arg8: memref<64x32xf32, #tpu.memory_space<vmem>>, %arg9: memref<1x32xf32, #tpu.memory_space<vmem>>, %arg10: memref<288x3xf32, #tpu.memory_space<vmem>>, %arg11: memref<1x3xf32, #tpu.memory_space<vmem>>, %arg12: memref<288x2xf32, #tpu.memory_space<vmem>>, %arg13: memref<1x2xf32, #tpu.memory_space<vmem>>, %arg14: memref<288x512xf32, #tpu.memory_space<vmem>>, %arg15: memref<3x512xf32, #tpu.memory_space<vmem>>, %arg16: memref<2x512xf32, #tpu.memory_space<vmem>>, %arg17: memref<1x512xf32, #tpu.memory_space<vmem>>, %arg18: memref<128x512xf32, #tpu.memory_space<vmem>>, %arg19: memref<128x5xf32, #tpu.memory_space<vmem>>, %arg20: memref<1x5xf32, #tpu.memory_space<vmem>>, %arg21: memref<25x1024x5xf32, #tpu.memory_space<vmem>>, %arg22: memref<1024x3xf32, #tpu.memory_space<vmem>>, %arg23: memref<1024x2xf32, #tpu.memory_space<vmem>>) attributes {dimension_semantics = [], scalar_prefetch = 0 : i64, scratch_operands = 0 : i64, tpu.core_type = #tpu.core_type<tc>} {
    %get3A = arith.constant 0 : index
    %get3A_0 = arith.constant 0 : index
    %get3A_1 = vector.load %arg4[%get3A, %get3A_0] : memref<2x32xf32, #tpu.memory_space<vmem>>, vector<2x32xf32>
    %get3A_2 = arith.constant 0 : index
    %get3A_3 = arith.constant 0 : index
    %get3A_4 = vector.load %arg5[%get3A_2, %get3A_3] : memref<1x32xf32, #tpu.memory_space<vmem>>, vector<1x32xf32>
    %get3A_5 = arith.constant 0 : index
    %get3A_6 = arith.constant 0 : index
    %get3A_7 = vector.load %arg6[%get3A_5, %get3A_6] : memref<96x256xf32, #tpu.memory_space<vmem>>, vector<96x256xf32>
    %get3A_8 = arith.constant 0 : index
    %get3A_9 = arith.constant 0 : index
    %get3A_10 = vector.load %arg7[%get3A_8, %get3A_9] : memref<1x256xf32, #tpu.memory_space<vmem>>, vector<1x256xf32>
    %broadcast_in_dim3A = arith.constant 0.000000e+00 : f32
    %broadcast_in_dim3A_11 = vector.broadcast %broadcast_in_dim3A : f32 to vector<1024x64xf32>
    %scan3A = arith.constant 0 : i32
    %scan3A_12 = arith.constant 16 : i32
    %scan3A_13 = arith.addi %scan3A, %scan3A_12 : i32
    %scan3A_14 = arith.constant 1 : i32
    %scan3A_15:2 = scf.for %scan3A_119 = %scan3A to %scan3A_13 step %scan3A_14 iter_args(%scan3A_120 = %broadcast_in_dim3A_11, %scan3A_121 = %broadcast_in_dim3A_11) -> (vector<1024x64xf32>, vector<1024x64xf32>)  : i32 {
      %get3A_122 = arith.index_cast %scan3A_119 : i32 to index
      %get3A_123 = arith.constant 0 : index
      %get3A_124 = arith.constant 0 : index
      %get3A_125 = vector.load %arg0[%get3A_122, %get3A_123, %get3A_124] : memref<16x1024x2xf32, #tpu.memory_space<vmem>>, vector<1x1024x2xf32>
      %get3A_126 = vector.shape_cast %get3A_125 : vector<1x1024x2xf32> to vector<1024x2xf32>
      %dot_general3A_127 = arith.constant dense<0.000000e+00> : vector<1024x32xf32>
      %dot_general3A_128 = tpu.matmul %get3A_126, %get3A_1, %dot_general3A_127 {dimension_numbers = #tpu.dot_dimension_numbers<[1], [0], [0], [1], [0, 0, 1, 1], [], []>, transpose_lhs_hint = false} : vector<1024x2xf32>, vector<2x32xf32>, vector<1024x32xf32> -> vector<1024x32xf32>
      %add3A_129 = vector.broadcast %get3A_4 : vector<1x32xf32> to vector<1024x32xf32>
      %add3A_130 = arith.addf %dot_general3A_128, %add3A_129 : vector<1024x32xf32>
      %ge3A_131 = arith.constant 0.000000e+00 : f32
      %ge3A_132 = vector.broadcast %ge3A_131 : f32 to vector<1024x32xf32>
      %ge3A_133 = arith.cmpf oge, %add3A_130, %ge3A_132 : vector<1024x32xf32>
      %mul3A_134 = arith.constant 1.000000e-01 : f32
      %mul3A_135 = vector.broadcast %mul3A_134 : f32 to vector<1024x32xf32>
      %mul3A_136 = arith.mulf %mul3A_135, %add3A_130 : vector<1024x32xf32>
      %select_n3A_137 = arith.select %ge3A_133, %add3A_130, %mul3A_136 : vector<1024x32xi1>, vector<1024x32xf32>
      %concatenate3A_138 = tpu.concatenate %select_n3A_137, %scan3A_120 in 1 : vector<1024x32xf32>, vector<1024x64xf32> -> vector<1024x96xf32>
      %dot_general3A_139 = arith.constant dense<0.000000e+00> : vector<1024x256xf32>
      %dot_general3A_140 = tpu.matmul %concatenate3A_138, %get3A_7, %dot_general3A_139 {dimension_numbers = #tpu.dot_dimension_numbers<[1], [0], [0], [1], [0, 0, 1, 1], [], []>, transpose_lhs_hint = false} : vector<1024x96xf32>, vector<96x256xf32>, vector<1024x256xf32> -> vector<1024x256xf32>
      %add3A_141 = vector.broadcast %get3A_10 : vector<1x256xf32> to vector<1024x256xf32>
      %add3A_142 = arith.addf %dot_general3A_140, %add3A_141 : vector<1024x256xf32>
      %slice3A = vector.extract_strided_slice %add3A_142 {offsets = [0, 0], sizes = [1024, 64], strides = [1, 1]} : vector<1024x256xf32> to vector<1024x64xf32>
      %logistic3A = arith.negf %slice3A : vector<1024x64xf32>
      %logistic3A_143 = math.exp %logistic3A : vector<1024x64xf32>
      %logistic3A_144 = arith.constant 1.000000e+00 : f32
      %logistic3A_145 = vector.broadcast %logistic3A_144 : f32 to vector<1024x64xf32>
      %logistic3A_146 = arith.addf %logistic3A_145, %logistic3A_143 : vector<1024x64xf32>
      %logistic3A_147 = arith.divf %logistic3A_145, %logistic3A_146 : vector<1024x64xf32>
      %slice3A_148 = vector.extract_strided_slice %add3A_142 {offsets = [0, 64], sizes = [1024, 64], strides = [1, 1]} : vector<1024x256xf32> to vector<1024x64xf32>
      %logistic3A_149 = arith.negf %slice3A_148 : vector<1024x64xf32>
      %logistic3A_150 = math.exp %logistic3A_149 : vector<1024x64xf32>
      %logistic3A_151 = arith.constant 1.000000e+00 : f32
      %logistic3A_152 = vector.broadcast %logistic3A_151 : f32 to vector<1024x64xf32>
      %logistic3A_153 = arith.addf %logistic3A_152, %logistic3A_150 : vector<1024x64xf32>
      %logistic3A_154 = arith.divf %logistic3A_152, %logistic3A_153 : vector<1024x64xf32>
      %slice3A_155 = vector.extract_strided_slice %add3A_142 {offsets = [0, 128], sizes = [1024, 64], strides = [1, 1]} : vector<1024x256xf32> to vector<1024x64xf32>
      %tanh3A = math.tanh %slice3A_155 : vector<1024x64xf32>
      %slice3A_156 = vector.extract_strided_slice %add3A_142 {offsets = [0, 192], sizes = [1024, 64], strides = [1, 1]} : vector<1024x256xf32> to vector<1024x64xf32>
      %logistic3A_157 = arith.negf %slice3A_156 : vector<1024x64xf32>
      %logistic3A_158 = math.exp %logistic3A_157 : vector<1024x64xf32>
      %logistic3A_159 = arith.constant 1.000000e+00 : f32
      %logistic3A_160 = vector.broadcast %logistic3A_159 : f32 to vector<1024x64xf32>
      %logistic3A_161 = arith.addf %logistic3A_160, %logistic3A_158 : vector<1024x64xf32>
      %logistic3A_162 = arith.divf %logistic3A_160, %logistic3A_161 : vector<1024x64xf32>
      %mul3A_163 = arith.mulf %logistic3A_154, %scan3A_121 : vector<1024x64xf32>
      %mul3A_164 = arith.mulf %logistic3A_147, %tanh3A : vector<1024x64xf32>
      %add3A_165 = arith.addf %mul3A_163, %mul3A_164 : vector<1024x64xf32>
      %tanh3A_166 = math.tanh %add3A_165 : vector<1024x64xf32>
      %mul3A_167 = arith.mulf %logistic3A_162, %tanh3A_166 : vector<1024x64xf32>
      scf.yield %mul3A_167, %add3A_165 : vector<1024x64xf32>, vector<1024x64xf32>
    }
    %scan3A_16 = arith.constant 16 : i32
    %get3A_17 = arith.constant 0 : index
    %get3A_18 = arith.constant 0 : index
    %get3A_19 = vector.load %arg8[%get3A_17, %get3A_18] : memref<64x32xf32, #tpu.memory_space<vmem>>, vector<64x32xf32>
    %dot_general3A = arith.constant dense<0.000000e+00> : vector<1024x32xf32>
    %dot_general3A_20 = tpu.matmul %scan3A_15#0, %get3A_19, %dot_general3A {dimension_numbers = #tpu.dot_dimension_numbers<[1], [0], [0], [1], [0, 0, 1, 1], [], []>, transpose_lhs_hint = false} : vector<1024x64xf32>, vector<64x32xf32>, vector<1024x32xf32> -> vector<1024x32xf32>
    %get3A_21 = arith.constant 0 : index
    %get3A_22 = arith.constant 0 : index
    %get3A_23 = vector.load %arg9[%get3A_21, %get3A_22] : memref<1x32xf32, #tpu.memory_space<vmem>>, vector<1x32xf32>
    %add3A = vector.broadcast %get3A_23 : vector<1x32xf32> to vector<1024x32xf32>
    %add3A_24 = arith.addf %dot_general3A_20, %add3A : vector<1024x32xf32>
    %ge3A = arith.constant 0.000000e+00 : f32
    %ge3A_25 = vector.broadcast %ge3A : f32 to vector<1024x32xf32>
    %ge3A_26 = arith.cmpf oge, %add3A_24, %ge3A_25 : vector<1024x32xf32>
    %mul3A = arith.constant 1.000000e-01 : f32
    %mul3A_27 = vector.broadcast %mul3A : f32 to vector<1024x32xf32>
    %mul3A_28 = arith.mulf %mul3A_27, %add3A_24 : vector<1024x32xf32>
    %select_n3A = arith.select %ge3A_26, %add3A_24, %mul3A_28 : vector<1024x32xi1>, vector<1024x32xf32>
    %get3A_29 = arith.constant 0 : index
    %get3A_30 = arith.constant 0 : index
    %get3A_31 = vector.load %arg1[%get3A_29, %get3A_30] : memref<1024x256xf32, #tpu.memory_space<vmem>>, vector<1024x256xf32>
    %concatenate3A = tpu.concatenate %get3A_31, %select_n3A in 1 : vector<1024x256xf32>, vector<1024x32xf32> -> vector<1024x288xf32>
    %get3A_32 = arith.constant 0 : index
    %get3A_33 = arith.constant 0 : index
    %get3A_34 = vector.load %arg10[%get3A_32, %get3A_33] : memref<288x3xf32, #tpu.memory_space<vmem>>, vector<288x3xf32>
    %dot_general3A_35 = arith.constant dense<0.000000e+00> : vector<1024x3xf32>
    %dot_general3A_36 = tpu.matmul %concatenate3A, %get3A_34, %dot_general3A_35 {dimension_numbers = #tpu.dot_dimension_numbers<[1], [0], [0], [1], [0, 0, 1, 1], [], []>, transpose_lhs_hint = false} : vector<1024x288xf32>, vector<288x3xf32>, vector<1024x3xf32> -> vector<1024x3xf32>
    %get3A_37 = arith.constant 0 : index
    %get3A_38 = arith.constant 0 : index
    %get3A_39 = vector.load %arg11[%get3A_37, %get3A_38] : memref<1x3xf32, #tpu.memory_space<vmem>>, vector<1x3xf32>
    %add3A_40 = vector.broadcast %get3A_39 : vector<1x3xf32> to vector<1024x3xf32>
    %add3A_41 = arith.addf %dot_general3A_36, %add3A_40 : vector<1024x3xf32>
    %reduce_max3A = arith.constant dense<0xFF800000> : vector<1024xf32>
    %reduce_max3A_42 = vector.multi_reduction <maximumf>, %add3A_41, %reduce_max3A [1] : vector<1024x3xf32> to vector<1024xf32>
    %broadcast_in_dim3A_43 = vector.shape_cast %reduce_max3A_42 : vector<1024xf32> to vector<1024x1xf32>
    %sub3A = vector.broadcast %broadcast_in_dim3A_43 : vector<1024x1xf32> to vector<1024x3xf32>
    %sub3A_44 = arith.subf %add3A_41, %sub3A : vector<1024x3xf32>
    %exp3A = math.exp %sub3A_44 : vector<1024x3xf32>
    %reduce_sum3A = arith.constant dense<0.000000e+00> : vector<1024xf32>
    %reduce_sum3A_45 = vector.multi_reduction <add>, %exp3A, %reduce_sum3A [1] : vector<1024x3xf32> to vector<1024xf32>
    %broadcast_in_dim3A_46 = vector.shape_cast %reduce_sum3A_45 : vector<1024xf32> to vector<1024x1xf32>
    %div3A = vector.broadcast %broadcast_in_dim3A_46 : vector<1024x1xf32> to vector<1024x3xf32>
    %div3A_47 = arith.divf %exp3A, %div3A : vector<1024x3xf32>
    %swap3A = arith.constant 0 : index
    %swap3A_48 = arith.constant 0 : index
    %swap3A_49 = vector.load %arg22[%swap3A, %swap3A_48] : memref<1024x3xf32, #tpu.memory_space<vmem>>, vector<1024x3xf32>
    tpu.vector_store %arg22[%swap3A, %swap3A_48], %div3A_47 {strides = array<i32>} : memref<1024x3xf32, #tpu.memory_space<vmem>>, vector<1024x3xf32>,
    %get3A_50 = arith.constant 0 : index
    %get3A_51 = arith.constant 0 : index
    %get3A_52 = vector.load %arg12[%get3A_50, %get3A_51] : memref<288x2xf32, #tpu.memory_space<vmem>>, vector<288x2xf32>
    %dot_general3A_53 = arith.constant dense<0.000000e+00> : vector<1024x2xf32>
    %dot_general3A_54 = tpu.matmul %concatenate3A, %get3A_52, %dot_general3A_53 {dimension_numbers = #tpu.dot_dimension_numbers<[1], [0], [0], [1], [0, 0, 1, 1], [], []>, transpose_lhs_hint = false} : vector<1024x288xf32>, vector<288x2xf32>, vector<1024x2xf32> -> vector<1024x2xf32>
    %get3A_55 = arith.constant 0 : index
    %get3A_56 = arith.constant 0 : index
    %get3A_57 = vector.load %arg13[%get3A_55, %get3A_56] : memref<1x2xf32, #tpu.memory_space<vmem>>, vector<1x2xf32>
    %add3A_58 = vector.broadcast %get3A_57 : vector<1x2xf32> to vector<1024x2xf32>
    %add3A_59 = arith.addf %dot_general3A_54, %add3A_58 : vector<1024x2xf32>
    %reduce_max3A_60 = arith.constant dense<0xFF800000> : vector<1024xf32>
    %reduce_max3A_61 = vector.multi_reduction <maximumf>, %add3A_59, %reduce_max3A_60 [1] : vector<1024x2xf32> to vector<1024xf32>
    %broadcast_in_dim3A_62 = vector.shape_cast %reduce_max3A_61 : vector<1024xf32> to vector<1024x1xf32>
    %sub3A_63 = vector.broadcast %broadcast_in_dim3A_62 : vector<1024x1xf32> to vector<1024x2xf32>
    %sub3A_64 = arith.subf %add3A_59, %sub3A_63 : vector<1024x2xf32>
    %exp3A_65 = math.exp %sub3A_64 : vector<1024x2xf32>
    %reduce_sum3A_66 = arith.constant dense<0.000000e+00> : vector<1024xf32>
    %reduce_sum3A_67 = vector.multi_reduction <add>, %exp3A_65, %reduce_sum3A_66 [1] : vector<1024x2xf32> to vector<1024xf32>
    %broadcast_in_dim3A_68 = vector.shape_cast %reduce_sum3A_67 : vector<1024xf32> to vector<1024x1xf32>
    %div3A_69 = vector.broadcast %broadcast_in_dim3A_68 : vector<1024x1xf32> to vector<1024x2xf32>
    %div3A_70 = arith.divf %exp3A_65, %div3A_69 : vector<1024x2xf32>
    %swap3A_71 = arith.constant 0 : index
    %swap3A_72 = arith.constant 0 : index
    %swap3A_73 = vector.load %arg23[%swap3A_71, %swap3A_72] : memref<1024x2xf32, #tpu.memory_space<vmem>>, vector<1024x2xf32>
    tpu.vector_store %arg23[%swap3A_71, %swap3A_72], %div3A_70 {strides = array<i32>} : memref<1024x2xf32, #tpu.memory_space<vmem>>, vector<1024x2xf32>,
    %get3A_74 = arith.constant 0 : index
    %get3A_75 = arith.constant 0 : index
    %get3A_76 = vector.load %arg14[%get3A_74, %get3A_75] : memref<288x512xf32, #tpu.memory_space<vmem>>, vector<288x512xf32>
    %dot_general3A_77 = arith.constant dense<0.000000e+00> : vector<1024x512xf32>
    %dot_general3A_78 = tpu.matmul %concatenate3A, %get3A_76, %dot_general3A_77 {dimension_numbers = #tpu.dot_dimension_numbers<[1], [0], [0], [1], [0, 0, 1, 1], [], []>, transpose_lhs_hint = false} : vector<1024x288xf32>, vector<288x512xf32>, vector<1024x512xf32> -> vector<1024x512xf32>
    %get3A_79 = arith.constant 0 : index
    %get3A_80 = arith.constant 0 : index
    %get3A_81 = vector.load %arg2[%get3A_79, %get3A_80] : memref<1024x3xf32, #tpu.memory_space<vmem>>, vector<1024x3xf32>
    %get3A_82 = arith.constant 0 : index
    %get3A_83 = arith.constant 0 : index
    %get3A_84 = vector.load %arg15[%get3A_82, %get3A_83] : memref<3x512xf32, #tpu.memory_space<vmem>>, vector<3x512xf32>
    %dot_general3A_85 = arith.constant dense<0.000000e+00> : vector<1024x512xf32>
    %dot_general3A_86 = tpu.matmul %get3A_81, %get3A_84, %dot_general3A_85 {dimension_numbers = #tpu.dot_dimension_numbers<[1], [0], [0], [1], [0, 0, 1, 1], [], []>, transpose_lhs_hint = false} : vector<1024x3xf32>, vector<3x512xf32>, vector<1024x512xf32> -> vector<1024x512xf32>
    %add3A_87 = arith.addf %dot_general3A_78, %dot_general3A_86 : vector<1024x512xf32>
    %get3A_88 = arith.constant 0 : index
    %get3A_89 = arith.constant 0 : index
    %get3A_90 = vector.load %arg3[%get3A_88, %get3A_89] : memref<1024x2xf32, #tpu.memory_space<vmem>>, vector<1024x2xf32>
    %get3A_91 = arith.constant 0 : index
    %get3A_92 = arith.constant 0 : index
    %get3A_93 = vector.load %arg16[%get3A_91, %get3A_92] : memref<2x512xf32, #tpu.memory_space<vmem>>, vector<2x512xf32>
    %dot_general3A_94 = arith.constant dense<0.000000e+00> : vector<1024x512xf32>
    %dot_general3A_95 = tpu.matmul %get3A_90, %get3A_93, %dot_general3A_94 {dimension_numbers = #tpu.dot_dimension_numbers<[1], [0], [0], [1], [0, 0, 1, 1], [], []>, transpose_lhs_hint = false} : vector<1024x2xf32>, vector<2x512xf32>, vector<1024x512xf32> -> vector<1024x512xf32>
    %add3A_96 = arith.addf %add3A_87, %dot_general3A_95 : vector<1024x512xf32>
    %get3A_97 = arith.constant 0 : index
    %get3A_98 = arith.constant 0 : index
    %get3A_99 = vector.load %arg17[%get3A_97, %get3A_98] : memref<1x512xf32, #tpu.memory_space<vmem>>, vector<1x512xf32>
    %add3A_100 = vector.broadcast %get3A_99 : vector<1x512xf32> to vector<1024x512xf32>
    %add3A_101 = arith.addf %add3A_96, %add3A_100 : vector<1024x512xf32>
    %get3A_102 = arith.constant 0 : index
    %get3A_103 = arith.constant 0 : index
    %get3A_104 = vector.load %arg18[%get3A_102, %get3A_103] : memref<128x512xf32, #tpu.memory_space<vmem>>, vector<128x512xf32>
    %get3A_105 = arith.constant 0 : index
    %get3A_106 = arith.constant 0 : index
    %get3A_107 = vector.load %arg19[%get3A_105, %get3A_106] : memref<128x5xf32, #tpu.memory_space<vmem>>, vector<128x5xf32>
    %get3A_108 = arith.constant 0 : index
    %get3A_109 = arith.constant 0 : index
    %get3A_110 = vector.load %arg20[%get3A_108, %get3A_109] : memref<1x5xf32, #tpu.memory_space<vmem>>, vector<1x5xf32>
    %iota3A = tpu.iota {dimensions = array<i32: 1>} : vector<1024x5xi32>
    %broadcast_in_dim3A_111 = arith.constant 0.000000e+00 : f32
    %broadcast_in_dim3A_112 = vector.broadcast %broadcast_in_dim3A_111 : f32 to vector<1024x128xf32>
    %scan3A_113 = arith.constant 0 : i32
    %scan3A_114 = arith.constant 25 : i32
    %scan3A_115 = arith.addi %scan3A_113, %scan3A_114 : i32
    %scan3A_116 = arith.constant 1 : i32
    %scan3A_117:2 = scf.for %scan3A_119 = %scan3A_113 to %scan3A_115 step %scan3A_116 iter_args(%scan3A_120 = %broadcast_in_dim3A_112, %scan3A_121 = %broadcast_in_dim3A_112) -> (vector<1024x128xf32>, vector<1024x128xf32>)  : i32 {
      %dot_general3A_122 = arith.constant dense<0.000000e+00> : vector<1024x512xf32>
      %dot_general3A_123 = tpu.matmul %scan3A_120, %get3A_104, %dot_general3A_122 {dimension_numbers = #tpu.dot_dimension_numbers<[1], [0], [0], [1], [0, 0, 1, 1], [], []>, transpose_lhs_hint = false} : vector<1024x128xf32>, vector<128x512xf32>, vector<1024x512xf32> -> vector<1024x512xf32>
      %add3A_124 = arith.addf %add3A_101, %dot_general3A_123 : vector<1024x512xf32>
      %slice3A = vector.extract_strided_slice %add3A_124 {offsets = [0, 0], sizes = [1024, 128], strides = [1, 1]} : vector<1024x512xf32> to vector<1024x128xf32>
      %logistic3A = arith.negf %slice3A : vector<1024x128xf32>
      %logistic3A_125 = math.exp %logistic3A : vector<1024x128xf32>
      %logistic3A_126 = arith.constant 1.000000e+00 : f32
      %logistic3A_127 = vector.broadcast %logistic3A_126 : f32 to vector<1024x128xf32>
      %logistic3A_128 = arith.addf %logistic3A_127, %logistic3A_125 : vector<1024x128xf32>
      %logistic3A_129 = arith.divf %logistic3A_127, %logistic3A_128 : vector<1024x128xf32>
      %slice3A_130 = vector.extract_strided_slice %add3A_124 {offsets = [0, 128], sizes = [1024, 128], strides = [1, 1]} : vector<1024x512xf32> to vector<1024x128xf32>
      %logistic3A_131 = arith.negf %slice3A_130 : vector<1024x128xf32>
      %logistic3A_132 = math.exp %logistic3A_131 : vector<1024x128xf32>
      %logistic3A_133 = arith.constant 1.000000e+00 : f32
      %logistic3A_134 = vector.broadcast %logistic3A_133 : f32 to vector<1024x128xf32>
      %logistic3A_135 = arith.addf %logistic3A_134, %logistic3A_132 : vector<1024x128xf32>
      %logistic3A_136 = arith.divf %logistic3A_134, %logistic3A_135 : vector<1024x128xf32>
      %slice3A_137 = vector.extract_strided_slice %add3A_124 {offsets = [0, 256], sizes = [1024, 128], strides = [1, 1]} : vector<1024x512xf32> to vector<1024x128xf32>
      %tanh3A = math.tanh %slice3A_137 : vector<1024x128xf32>
      %slice3A_138 = vector.extract_strided_slice %add3A_124 {offsets = [0, 384], sizes = [1024, 128], strides = [1, 1]} : vector<1024x512xf32> to vector<1024x128xf32>
      %logistic3A_139 = arith.negf %slice3A_138 : vector<1024x128xf32>
      %logistic3A_140 = math.exp %logistic3A_139 : vector<1024x128xf32>
      %logistic3A_141 = arith.constant 1.000000e+00 : f32
      %logistic3A_142 = vector.broadcast %logistic3A_141 : f32 to vector<1024x128xf32>
      %logistic3A_143 = arith.addf %logistic3A_142, %logistic3A_140 : vector<1024x128xf32>
      %logistic3A_144 = arith.divf %logistic3A_142, %logistic3A_143 : vector<1024x128xf32>
      %mul3A_145 = arith.mulf %logistic3A_136, %scan3A_121 : vector<1024x128xf32>
      %mul3A_146 = arith.mulf %logistic3A_129, %tanh3A : vector<1024x128xf32>
      %add3A_147 = arith.addf %mul3A_145, %mul3A_146 : vector<1024x128xf32>
      %tanh3A_148 = math.tanh %add3A_147 : vector<1024x128xf32>
      %mul3A_149 = arith.mulf %logistic3A_144, %tanh3A_148 : vector<1024x128xf32>
      %dot_general3A_150 = arith.constant dense<0.000000e+00> : vector<1024x5xf32>
      %dot_general3A_151 = tpu.matmul %mul3A_149, %get3A_107, %dot_general3A_150 {dimension_numbers = #tpu.dot_dimension_numbers<[1], [0], [0], [1], [0, 0, 1, 1], [], []>, transpose_lhs_hint = false} : vector<1024x128xf32>, vector<128x5xf32>, vector<1024x5xf32> -> vector<1024x5xf32>
      %add3A_152 = vector.broadcast %get3A_110 : vector<1x5xf32> to vector<1024x5xf32>
      %add3A_153 = arith.addf %dot_general3A_151, %add3A_152 : vector<1024x5xf32>
      %lt3A = arith.constant 2 : i32
      %lt3A_154 = vector.broadcast %lt3A : i32 to vector<1024x5xi32>
      %lt3A_155 = arith.cmpi slt, %iota3A, %lt3A_154 : vector<1024x5xi32>
      %lt3A_156 = arith.constant 4 : i32
      %lt3A_157 = vector.broadcast %lt3A_156 : i32 to vector<1024x5xi32>
      %lt3A_158 = arith.cmpi slt, %iota3A, %lt3A_157 : vector<1024x5xi32>
      %exp3A_159 = math.exp %add3A_153 : vector<1024x5xf32>
      %tanh3A_160 = math.tanh %add3A_153 : vector<1024x5xf32>
      %select_n3A_161 = arith.select %lt3A_158, %exp3A_159, %tanh3A_160 : vector<1024x5xi1>, vector<1024x5xf32>
      %select_n3A_162 = arith.select %lt3A_155, %add3A_153, %select_n3A_161 : vector<1024x5xi1>, vector<1024x5xf32>
      %swap3A_163 = arith.index_cast %scan3A_119 : i32 to index
      %swap3A_164 = arith.constant 0 : index
      %swap3A_165 = arith.constant 0 : index
      %swap3A_166 = vector.load %arg21[%swap3A_163, %swap3A_164, %swap3A_165] : memref<25x1024x5xf32, #tpu.memory_space<vmem>>, vector<1x1024x5xf32>
      %swap3A_167 = vector.shape_cast %swap3A_166 : vector<1x1024x5xf32> to vector<1024x5xf32>
      %swap3A_168 = vector.shape_cast %select_n3A_162 : vector<1024x5xf32> to vector<1x1024x5xf32>
      tpu.vector_store %arg21[%swap3A_163, %swap3A_164, %swap3A_165], %swap3A_168 {strides = array<i32>} : memref<25x1024x5xf32, #tpu.memory_space<vmem>>, vector<1x1024x5xf32>,
      scf.yield %mul3A_149, %add3A_147 : vector<1024x128xf32>, vector<1024x128xf32>
    }
    %scan3A_118 = arith.constant 25 : i32
    return
  }
}

</mosaic_0001>

<sc_bundles>
// kernel: kernel.6.cloned.1.call-start
scs
__scs_entry_jumppad:
0x0: {  	(pc) =	sbr.rel $0x88, $3  }
0x1: {  	(tag) =	ssettag $0x0;
	lr =	simm.s32 $0x1  }
0x2: {  	[smem:$0x3F86] =	sst lr;
	_ =	strace $0xD0000000  }
0x3: {  	_ = 	snop  }
0x4: {  	_ = 	snop  }
0x5: {  	_ = 	snop  }
0x6: {  	_ = 	snop  }
0x7: {  	_ = 	snop  }
__scs_overlays_trampoline_lowered:
0x8: {  	[smem:$0x3F95] =	sst s0  }
0x9: {  	[smem:$0x3F96] =	sst s1  }
0xa: {  	[smem:$0x3F97] =	sst s2  }
0xb: {  	[smem:$0x3F98] =	sst s3  }
0xc: {  	[smem:$0x3F99] =	sst s4  }
0xd: {  	[smem:$0x3F9A] =	sst s5  }
0xe: {  	[smem:$0x3F9B] =	sst s6  }
0xf: {  	[smem:$0x3F9C] =	sst s7  }
0x10: {  	[smem:$0x3F9D] =	sst s8  }
0x11: {  	[smem:$0x3F9E] =	sst s9;
	s0 =	simm.s32 @!p0 $0x0  }
0x12: {  	s1 =	sld [smem:$0x3F84];
	s0 =	simm.s32 @p0 $0x1  }
0x13: {  	[smem:$0x3F9F] =	sst s0;
	s0 =	simm.s32 @!p1 $0x0  }
0x14: {  	s2 =	sld [smem:$0x3F83];
	s0 =	simm.s32 @p1 $0x1  }
0x15: {  	[smem:$0x3FA0] =	sst s0;
	s0 =	simm.s32 @!p2 $0x0  }
0x16: {  	s3 =	sld [smem:$0x3FDB];
	s0 =	simm.s32 @p2 $0x1  }
0x17: {  	s4 =	simm.s32 $0x1BF5;
	[smem:$0x3FA2] =	sst s0  }
0x18: {  	s0 =	sld [smem:$0x3F85];
	_ =	swait.ge [sflag:s4], $0x0  }
0x19: {  	s7 =	sld [smem:$0x3F86]  }
0x1a: {  	s8 =	sadd.s32 $0xFFFFE003, lr  }
0x1b: {  	s9 =	sadd.s32 $0xFFFFFEF7, lr;
	s5 =	simm.s32 $0xFFFFFFFF;
	p2 =	slt.u32 s8, $0xFFFFF086  }
0x1c: {  	p1 =	slt.u32 s9, $0xF7A;
	s5 =	simm.s32 @!p2 $0x0  }
0x1d: {  	s5 =	simm.s32 @p1 $0x1;
	p0 =	seq.s32 s7, s2  }
0x1e: {  	s7 =	smul.u32 @!p0 $0xF7A, s2;
	p2 =	seq.s32 @!p0 s5, $0x0  }
0x1f: {  	s9 =	smul.u32 $0xF7A, s1;
	s8 =	simm.s32 @!p0 $0x1BF5;
	p2 =	por !p2, p0  }
0x20: {  	[sflag:s8] =	ssyncset.s32 @!p0 $0xFFFFF086;
	s6 =	sadd.s32 @!p0 s3, s7;
	s7 =	simm.s32 @!p0 $0x108  }
0x21: {  	s3 =	sadd.s32 s3, s9;
	s6 =	sadd.s32 @!p0 $0x88, s6;
	s7 =	simm.s32 @p2 $0x1082  }
0x22: {  	[simem:s7], [sflag:s8] =	dma.local @!p0 [hbm:s6], $0xF7A  }
0x23: {  	s9 =	sor.u32 $0xD0000000, s2;
	s6 =	simm.s32 $0x108;
	_ =	swait.ge @!p0 [sflag:s8], $0x0  }
0x24: {  	s3 =	sadd.s32 $0x88, s3;
	s6 =	simm.s32 @!p1 $0x1082;
	[sflag:s4] =	ssyncset.s32 $0xFFFFF086  }
0x25: {  	[simem:s6], [sflag:s4] =	dma.local [hbm:s3], $0xF7A  }
0x26: {  	[smem:$0x3F86] =	sst s1;
	(tag) =	ssettag s2;
	_ =	strace s9  }
0x27: {  	s1 =	sld [smem:$0x3F96]  }
0x28: {  	s2 =	sld [smem:$0x3F97]  }
0x29: {  	s4 =	sld [smem:$0x3F99]  }
0x2a: {  	p0 =	seq.s32 s5, $0x0;
	s5 =	sld [smem:$0x3F9A]  }
0x2b: {  	s6 =	sld [smem:$0x3F9B]  }
0x2c: {  	s7 =	sld [smem:$0x3F9C]  }
0x2d: {  	s3 =	simm.s32 $0x108;
	s8 =	sld [smem:$0x3F9D]  }
0x2e: {  	s3 =	simm.s32 @!p0 $0x1082;
	s9 =	sld [smem:$0x3F9E]  }
0x2f: {  	lr =	sadd.s32 s0, s3;
	s0 =	sld [smem:$0x3F95]  }
0x30: {  	s3 =	sld [smem:$0x3F98]  }
0x31: {  	[smem:$0x3FA1] =	sst s10  }
0x32: {  	s10 =	sld [smem:$0x3F9F];
	_ =	sdelay $0x3  }
0x33: {  	p0 =	seq.s32 s10, $0x1;
	s10 =	sld [smem:$0x3FA1];
	_ =	sdelay $0x3  }
0x34: {  	[smem:$0x3FA1] =	sst s10  }
0x35: {  	s10 =	sld [smem:$0x3FA0];
	_ =	sdelay $0x3  }
0x36: {  	p1 =	seq.s32 s10, $0x1;
	s10 =	sld [smem:$0x3FA1];
	_ =	sdelay $0x3  }
0x37: {  	[smem:$0x3FA1] =	sst s10  }
0x38: {  	s10 =	sld [smem:$0x3FA2]  }
0x39: {  	_ = 	snop;
	(pc) =	sbr.ind lr, $3  }
0x3a: {  	_ = 	snop  }
0x3b: {  	_ = 	snop  }
0x3c: {  	p2 =	seq.s32 s10, $0x1;
	s10 =	sld [smem:$0x3FA1]  }
0x3d: {  	_ =	shalt  }
0x3e: {  	_ =	shalt  }
0x3f: {  	_ =	shalt  }
0x40: {  	_ =	shalt  }
0x41: {  	_ =	shalt  }
0x42: {  	_ =	shalt  }
0x43: {  	_ =	shalt  }
0x44: {  	_ =	shalt  }
0x45: {  	_ =	shalt  }
0x46: {  	_ =	shalt  }
0x47: {  	_ =	shalt  }
0x48: {  	_ =	shalt  }
0x49: {  	_ =	shalt  }
0x4a: {  	_ =	shalt  }
0x4b: {  	_ =	shalt  }
0x4c: {  	_ =	shalt  }
0x4d: {  	_ =	shalt  }
0x4e: {  	_ =	shalt  }
0x4f: {  	_ =	shalt  }
0x50: {  	_ =	shalt  }
0x51: {  	_ =	shalt  }
0x52: {  	_ =	shalt  }
0x53: {  	_ =	shalt  }
0x54: {  	_ =	shalt  }
0x55: {  	_ =	shalt  }
0x56: {  	_ =	shalt  }
0x57: {  	_ =	shalt  }
0x58: {  	_ =	shalt  }
0x59: {  	_ =	shalt  }
0x5a: {  	_ =	shalt  }
0x5b: {  	_ =	shalt  }
0x5c: {  	_ =	shalt  }
0x5d: {  	_ =	shalt  }
0x5e: {  	_ =	shalt  }
0x5f: {  	_ =	shalt  }
0x60: {  	_ =	shalt  }
0x61: {  	_ =	shalt  }
0x62: {  	_ =	shalt  }
0x63: {  	_ =	shalt  }
0x64: {  	_ =	shalt  }
0x65: {  	_ =	shalt  }
0x66: {  	_ =	shalt  }
0x67: {  	_ =	shalt  }
0x68: {  	_ =	shalt  }
0x69: {  	_ =	shalt  }
0x6a: {  	_ =	shalt  }
0x6b: {  	_ =	shalt  }
0x6c: {  	_ =	shalt  }
0x6d: {  	_ =	shalt  }
0x6e: {  	_ =	shalt  }
0x6f: {  	_ =	shalt  }
0x70: {  	_ =	shalt  }
0x71: {  	_ =	shalt  }
0x72: {  	_ =	shalt  }
0x73: {  	_ =	shalt  }
0x74: {  	_ =	shalt  }
0x75: {  	_ =	shalt  }
0x76: {  	_ =	shalt  }
0x77: {  	_ =	shalt  }
0x78: {  	_ =	shalt  }
0x79: {  	_ =	shalt  }
0x7a: {  	_ =	shalt  }
0x7b: {  	_ =	shalt  }
0x7c: {  	_ =	shalt  }
0x7d: {  	_ =	shalt  }
0x7e: {  	_ =	shalt  }
0x7f: {  	_ =	shalt  }
0x80: {  	_ =	shalt  }
0x81: {  	_ =	shalt  }
0x82: {  	_ =	shalt  }
0x83: {  	_ =	shalt  }
0x84: {  	_ =	shalt  }
0x85: {  	_ =	shalt  }
0x86: {  	_ =	shalt  }
0x87: {  	_ =	shalt  }
.Lfunc_end0:
.L_simem_size_0:
called_computation_lowered:
.L_overlay_start_0:
0x88: {  	s2 =	sld [smem:$0x3FD9]  }
0x89: {  	s3 =	sld [smem:$0x3FFE];
	_ =	sdelay $0x1  }
0x8a: {  	s1 =	srdreg.scid  }
0x8b: {  	s0 =	sand.u32 $0x1, s1  }
0x8c: {  	s16 =	sshll.u32 s0, $0xA;
	s2 =	sadd.s32 s3, s2  }
0x8d: {  	s2 =	sadd.s32 s2, s16  }
0x8e: {  	[smem:$0x3FAD] =	sst s2  }
0x8f: {  	_ = 	snop  }
0x90: {  	(tm) =	ssettm $0x1  }
0x91: {  	s17 =	sld [smem:$0x3FFB];
	_ =	sdelay $0x3  }
0x92: {  	_ =	strace s17  }
0x93: {  	s2 =	sld [smem:$0x3FFC];
	_ =	sdelay $0x3  }
0x94: {  	_ =	strace s2  }
0x95: {  	s2 =	sld [smem:$0x3FFD];
	_ =	sdelay $0x3  }
0x96: {  	_ =	strace s2  }
0x97: {  	_ =	strace $0x8FFFFFFF  }
0x98: {  	s18 =	sld [smem:$0x3FDB];
	_ =	sdelay $0x1  }
0x99: {  	s19 =	simm.s32 $_scs_section_size  }
0x9a: {  	s4 =	simm.s32 $_size__tile_overlayer_lowered;
	s5 =	simm.s32 $_tile_overlayer_lowered  }
0x9b: {  	s22 =	simm.s32 $0x1BFF;
	s21 =	sshll.u32 s5, $0x1;
	s2 =	sadd.s32 s19, s18  }
0x9c: {  	s6 =	simm.s32 $0x0;
	s20 =	sshll.u32 s4, $0x1;
	s4 =	sadd.s32 s21, s2  }
0x9d: {  	[timem:s6], [sflag:s22] =	dma.local [hbm:s4], s20  }
0x9e: {  	_ =	swait.ge [sflag:s22], s20  }
0x9f: {  	s3 =	ssub.s32 $0x0, s20;
	[sflag:s22] =	ssyncset.done $0x0  }
0xa0: {  	[sflag:s22] =	ssyncadd.s32 s3;
	_ =	sdelay $0x1  }
0xa1: {  	s23 =	simm.s32 $0x1B8B  }
0xa2: {  	_ =	swait.ge [sflag:s23], $0x1  }
0xa3: {  	[sflag:s23] =	ssyncset.done $0x0  }
0xa4: {  	s25 =	simm.s32 $0x1B8E;
	s24 =	sld [smem:$0x3FFE];
	[sflag:s23] =	ssyncadd.s32 $0xFFFFFFFF  }
0xa5: {  	s26 =	simm.s32 $execute0_lowered;
	[smem:$0x3FD2] =	sst s25  }
0xa6: {  	s4 =	sshll.u32 s26, $0x1;
	_ =	strace $0x80000046;
	[dreg:$0x1] =	wrdreg $0xFFFFFFFF  }
0xa7: {  	s28 =	simm.s32 $_size_execute0_lowered;
	s2 =	sadd.s32 s2, s4;
	[dreg:$0x0] =	wrdreg $0x0  }
0xa8: {  	s4 =	sshll.u32 s28, $0x1;
	[dreg:$0x2] =	wrdreg s2  }
0xa9: {  	[dreg:$0x3] =	wrdreg s4  }
0xaa: {  	[dreg:$0x4] =	wrdreg $0xC0  }
0xab: {  	_ =	task [dreg:s6], $0x5FFFF  }
0xac: {  	[dreg:$0x1] =	wrdreg $0xFFFFFFFF  }
0xad: {  	[dreg:$0x0] =	wrdreg $0x60  }
0xae: {  	[dreg:$0x2] =	wrdreg s24  }
0xaf: {  	[dreg:$0x3] =	wrdreg $0x9  }
0xb0: {  	_ =	task.clear_ibuf [dreg:s6], $0x4FFFF;
	_ =	strace $0x90000046  }
0xb1: {  	s29 =	simm.s32 $0x9;
	_ =	strace $0x80000048  }
0xb2: {  	_ =	swait.ge [sflag:s29], $0x1  }
0xb3: {  	[sflag:s29] =	ssyncadd.s32 $0xFFFFFFFF  }
0xb4: {  	_ =	strace $0x90000048  }
0xb5: {  	_ =	sfence  }
0xb6: {  	s30 =	sld [smem:$0x0];
	_ =	sdelay $0x2  }
0xb7: {  	s31 =	sshll.u32 s1, $0xD;
	s1 =	sshrl.u32 s1, $0x2  }
0xb8: {  	s3 =	sand.u32 $0x4000, s31;
	s1 =	sadd.s32 s1, s30  }
0xb9: {  	s0 =	sor.u32 s3, s0;
	s1 =	sshll.u32 s1, $0x11  }
0xba: {  	s0 =	sor.u32 s1, s0  }
0xbb: {  	s0 =	sadd.s32 $0x8F2B, s0  }
0xbc: {  	[sflag:s0] =	ssyncadd.remote.s32 $0x1  }
0xbd: {  	_ =	sfence.sel $0xFFFF  }
0xbe: {  	[dreg:$0x0] =	wrdreg $0xFFFFFFFF;
	(pc) =	sbr.abs _section_cstart, $3  }
0xbf: {  	[dreg:$0x1] =	wrdreg $0xFFFFFFFF  }
0xc0: {  	_ =	task.clear_ibuf [dreg:s6], $0x2FFFF;
	_ =	strace $0x9FFFFFFF  }
0xc1: {  	(tm) =	ssettm $0x7FFFFFFF  }
tec
execute0_lowered:
.L_overlay_start_1:
0x0: {  	(tag) =	ssettag $0x1  }
0x1: {  	s1 =	srdreg.scid;
	s0 =	stileid.u32  }
0x2: {  	s6 =	sand.u32 $0x1, s1;
	s30 =	sshll.u32 s0, $0x1  }
0x3: {  	s8 =	rddreg [dreg:$0x0];
	s7 =	sor.u32 s6, s30  }
0x4: {  	s2 =	simm.s32 $0x0;
	s1 =	rddreg [dreg:$0x1];
	s3 =	smul.u32 $0x14, s7  }
0x5: {  	[smem:$0x7FF] =	sst s2;
	s5 =	sadd.s32 $0x804600, s8  }
0x6: {  	_ =	strace $0x80000047;
	s10 =	ssub.s32 $0x2, s6;
	s3 =	sadd.s32 s3, s8  }
0x7: {  	s6 =	simm.s32 $0xA0;
	s4 =	sadd.s32 $0x4200, s3;
	s3 =	simm.s32 $0x2  }
0x8: {  	[tilespmem:s2], [sflag:$0x2] =	stream.linear.gather [hbm4b:s4+s2], $0xA0, $0x38;
	[tilespmem:$0xA0A0] =	vst v63  }
0x9: {  	s9 =	smul.u32 $0x1400, s7;
	s11 =	sshrl.u32 s10, $0x1;
	_ =	swait.ge [sflag:s3], $0xA0  }
0xa: {  	s7 =	simm.s32 $0x1;
	s31 =	ssub.s32 s10, s11;
	[sflag:s3] =	ssyncset.done $0x0  }
0xb: {  	s8 =	sadd.s32 s9, s8;
	s9 =	smax.u32 s31, $0x1;
	[sflag:s3] =	ssyncadd.s32 $0xFFFFFF60  }
0xc: {  	[tilespmem:s6], [sflag:$0x1] =	stream.indirect.gather [hbm4b:s5+s6], $0x100, s2, s6, $0xb8;
	[tilespmem:$0xA0A0] =	vst v63  }
0xd: {  	p0 =	sne.s32 s9, $0x1;
	_ =	swait.ge [sflag:s7], $0xA000  }
.Ltmp0:
0xe: {  	[sflag:s7] =	ssyncset.done $0x0;
	(pc) =	sbr.rel @!p0 .LBB2_2-.Ltmp0, $4  }
0xf: {  	s8 =	sadd.s32 $0x4600, s8;
	[sflag:s7] =	ssyncadd.s32 $0xFFFF6000  }
0x10: {  	[hbm4b:s8+s2] =	stream.linear.scatter [tilespmem:s6], [sflag:$0x2], $0xA000, $0x38;
	[tilespmem:$0xA0A0] =	vst v63  }
0x11: {  	_ =	swait.ge [sflag:s3], $0xA000  }
0x12: {  	s9 =	sadd.s32 $0xFFFFFFFF, s9;
	[sflag:s3] =	ssyncset.done $0x0  }
.LBB2_1:
0x13: {  	p0 =	sne.s32 s9, $0x1;
	s9 =	sadd.s32 $0xFFFFFFFF, s9;
	[sflag:s3] =	ssyncadd.s32 $0xFFFF6000  }
0x14: {  	[tilespmem:s2], [sflag:$0x2] =	stream.linear.gather [hbm4b:s4+s2], $0xA0, $0x38;
	[tilespmem:$0xA0A0] =	vst v63  }
0x15: {  	_ =	swait.ge [sflag:s3], $0xA0  }
0x16: {  	[sflag:s3] =	ssyncset.done $0x0  }
0x17: {  	[sflag:s3] =	ssyncadd.s32 $0xFFFFFF60  }
0x18: {  	[tilespmem:s6], [sflag:$0x1] =	stream.indirect.gather [hbm4b:s5+s6], $0x100, s2, s6, $0xb8;
	[tilespmem:$0xA0A0] =	vst v63  }
0x19: {  	_ =	swait.ge [sflag:s7], $0xA000  }
.Ltmp1:
0x1a: {  	[sflag:s7] =	ssyncset.done $0x0;
	(pc) =	sbr.rel @p0 .LBB2_1-.Ltmp1, $4  }
0x1b: {  	[sflag:s7] =	ssyncadd.s32 $0xFFFF6000  }
0x1c: {  	[hbm4b:s8+s2] =	stream.linear.scatter [tilespmem:s6], [sflag:$0x2], $0xA000, $0x38;
	[tilespmem:$0xA0A0] =	vst v63  }
0x1d: {  	_ =	swait.ge [sflag:s3], $0xA000  }
0x1e: {  	[sflag:s3] =	ssyncset.done $0x0  }
.LBB2_2:
0x1f: {  	[sflag:s3] =	ssyncadd.s32 $0xFFFF6000  }
0x20: {  	_ =	sfence.sel $0x180000  }
0x21: {  	[bflag:$0x0] =	sbarrier.arrive $0xFFFF  }
0x22: {  	p0 =	sne.s32 s0, $0x0;
	_ =	strace $0x90000047  }
0x23: {  	s0 =	sadd.s32 @!p0 $0x100000, s1;
	[bflag:$0x2] =	sbarrier.arrive $0xFFFF  }
0x24: {  	[sflag:s0] =	ssyncadd.tile.s32 @!p0 $0x1;
	_ =	shalt  }
.Lfunc_end2:
_tile_overlayer_lowered:
.L_overlay_start_2:
0x25: {  	(tag) =	ssettag $0x2  }
0x26: {  	s0 =	rddreg [dreg:$0x0];
	s2 =	stileid.u32  }
0x27: {  	s1 =	rddreg [dreg:$0x1];
	p0 =	sne.s32 s2, $0x0  }
0x28: {  	s3 =	rddreg [dreg:$0x2];
	[bflag:$0x3] =	sbarrier.arrive $0xFFFF;
	s2 =	simm.s32 @!p0 $0x1C02  }
0x29: {  	[timem:s3], [sflag:s2] =	dma.local @!p0 [hbm:s0], s1  }
0x2a: {  	s0 =	simm.s32 @!p0 $0x2  }
0x2b: {  	_ =	swait.ge @!p0 [sflag:s0], s1  }
0x2c: {  	s1 =	ssub.s32 @!p0 $0x0, s1;
	[sflag:s0] =	ssyncset.done @!p0 $0x0  }
0x2d: {  	[sflag:s0] =	ssyncadd.s32 @!p0 s1  }
0x2e: {  	[bflag:$0x3] =	sbarrier.arrive $0xFFFF  }
0x2f: {  	_ =	shalt  }

</sc_bundles>
